<compile_context>
chip_gen: v7x
topology: tpu7x:2x2x1
jax: 0.10.2.dev20260603
libtpu: 0.0.44.dev20260713+nightly
codegen_flags: <defaults>
</compile_context>

<pallas_src>
import functools

import jax
import jax.numpy as jnp
from jax import lax
from jax.experimental import pallas as pl
from jax.experimental.pallas import tpu as pltpu
from jax.experimental.pallas import tpu_sc as plsc

B, Q, T, H, W = 4, 128, 64, 64, 64
HW = H * W
WIN = 7
NWIN = WIN * WIN
WPAD = 64
HALF = WIN // 2
C_OCC = 8
NO_ELECTRON_WEIGHT = 0.1
LOG_2PI = 1.8378770664093453

NC, NS = 2, 16
NWORK = NC * NS
PAIRS = B * T
PPW = PAIRS // NWORK


def _bce(x, y):
    return jnp.maximum(x, 0.0) - x * y + jnp.log1p(jnp.exp(-jnp.abs(x)))


NROW = PPW // 2


def _sc_window_gather(bin_hbm, true_hbm, inc_hbm, match_hbm,
                      boff_hbm, toff_hbm, out_bin, out_true,
                      incr_v, incc_v, m_v, boff_v, toff_v,
                      bidx_v, tidx_v, gbin_v, gtrue_v, sem_b, sem_t):
    wid = lax.axis_index("s") * NC + lax.axis_index("c")
    base = wid * PPW
    b_id = lax.shift_right_logical(wid, 3)

    pltpu.sync_copy(inc_hbm.at[pl.ds(base + b_id * T, PPW)],
                    incr_v.at[pl.ds(0, PPW)])
    pltpu.sync_copy(inc_hbm.at[pl.ds(base + b_id * T + T, PPW)],
                    incc_v.at[pl.ds(0, PPW)])
    pltpu.sync_copy(match_hbm.at[pl.ds(base, PPW)], m_v.at[pl.ds(0, PPW)])
    pltpu.sync_copy(boff_hbm, boff_v)
    pltpu.sync_copy(toff_hbm, toff_v)

    lanes = lax.iota(jnp.int32, 16)
    r_vec = incr_v[...].astype(jnp.int32)
    c_vec = incc_v[...].astype(jnp.int32)
    m_vec = m_v[...]
    t_vec = (base + lanes) & (T - 1)
    av_bin = (b_id * (H * W * Q) + (r_vec - HALF) * (W * Q)
              + (c_vec - HALF) * Q + m_vec)
    av_true = (b_id * (H * W * T) + (r_vec - HALF) * (W * T)
               + (c_vec - HALF) * T + t_vec)

    for j in range(PPW):
        jb = jnp.full((16,), j, jnp.int32)
        a_bin = av_bin.at[jb].get(mode='promise_in_bounds')
        a_true = av_true.at[jb].get(mode='promise_in_bounds')
        row, col = j // 2, (j % 2) * WPAD
        for v in range(4):
            off_b = boff_v[pl.ds(v * 16, 16)]
            off_t = toff_v[pl.ds(v * 16, 16)]
            bidx_v[row, pl.ds(col + v * 16, 16)] = a_bin + off_b
            tidx_v[row, pl.ds(col + v * 16, 16)] = a_true + off_t

    copies = []
    for j in range(NROW):
        copies.append(pltpu.async_copy(bin_hbm.at[bidx_v.at[j]], gbin_v.at[j], sem_b))
        copies.append(pltpu.async_copy(true_hbm.at[tidx_v.at[j]], gtrue_v.at[j], sem_t))
    for c in copies:
        c.wait()

    pltpu.sync_copy(gbin_v, out_bin.at[pl.ds(wid * NROW, NROW)])
    pltpu.sync_copy(gtrue_v, out_true.at[pl.ds(wid * NROW, NROW)])


_sc_gather_call = pl.kernel(
    _sc_window_gather,
    mesh=plsc.VectorSubcoreMesh(core_axis_name="c", subcore_axis_name="s"),
    out_type=[jax.ShapeDtypeStruct((PAIRS // 2, 2 * WPAD), jnp.float32),
              jax.ShapeDtypeStruct((PAIRS // 2, 2 * WPAD), jnp.float32)],
    scratch_types=[
        pltpu.VMEM((16,), jnp.float32),
        pltpu.VMEM((16,), jnp.float32),
        pltpu.VMEM((16,), jnp.int32),
        pltpu.VMEM((WPAD,), jnp.int32),
        pltpu.VMEM((WPAD,), jnp.int32),
        pltpu.VMEM((NROW, 2 * WPAD), jnp.int32),
        pltpu.VMEM((NROW, 2 * WPAD), jnp.int32),
        pltpu.VMEM((NROW, 2 * WPAD), jnp.float32),
        pltpu.VMEM((NROW, 2 * WPAD), jnp.float32),
        pltpu.SemaphoreType.DMA,
        pltpu.SemaphoreType.DMA,
    ])


def _main_kernel(portion_ref, true_ref, matched_ref, inc_ref,
                 ie_ref, packed_ref, occ_ref, occ_oh_ref, out_ref, acc_ref):
    b = pl.program_id(0)

    matched = matched_ref[0]
    q_iota = lax.broadcasted_iota(jnp.int32, (Q, T), 0)
    onehot = (q_iota == matched).astype(jnp.float32)

    true_b = true_ref[0]

    rp = lax.dot_general(
        portion_ref[0], onehot, (((1,), (0,)), ((), ())),
        precision=lax.Precision.HIGHEST,
        preferred_element_type=jnp.float32)
    p = jax.nn.sigmoid(rp)
    num_t = 2.0 * jnp.sum(p * true_b, axis=0, keepdims=True)
    den_t = jnp.sum(p, axis=0, keepdims=True) + jnp.sum(true_b, axis=0, keepdims=True)
    dice_b = jnp.sum(1.0 - (num_t + 1.0) / (den_t + 1.0))

    labels = jnp.max(onehot, axis=1, keepdims=True)
    wts = jnp.where(labels > 0.0, 1.0, NO_ELECTRON_WEIGHT)
    x_ie = ie_ref[0].reshape(Q, 1)
    class_b = jnp.sum(wts * _bce(x_ie, labels))

    g = lax.dot_general(
        onehot, packed_ref[0], (((0,), (0,)), ((), ())),
        precision=lax.Precision.HIGHEST,
        preferred_element_type=jnp.float32)
    ix = inc_ref[0, 0:1, :].reshape(T, 1)
    iy = inc_ref[0, 1:2, :].reshape(T, 1)
    d0 = ix - g[:, 0:1]
    d1 = iy - g[:, 1:2]
    l00 = g[:, 2:3]
    l10 = g[:, 3:4]
    l11 = g[:, 4:5]
    z0 = d0 / l00
    z1 = (d1 - l10 * z0) / l11
    nll_b = jnp.sum(0.5 * (z0 * z0 + z1 * z1)
                    + jnp.log(jnp.abs(l00)) + jnp.log(jnp.abs(l11)) + LOG_2PI)

    @pl.when(b == 0)
    def _init():
        for i in range(4):
            acc_ref[i] = 0.0

    acc_ref[0] = acc_ref[0] + class_b
    acc_ref[1] = acc_ref[1] + dice_b
    acc_ref[2] = acc_ref[2] + nll_b

    @pl.when(b == B - 1)
    def _final():
        xo = occ_ref[:, :]
        m = jnp.max(xo, axis=1, keepdims=True)
        lse = m + jnp.log(jnp.sum(jnp.exp(xo - m), axis=1, keepdims=True))
        occ_loss = -jnp.sum(occ_oh_ref[:, :] * (xo - lse)) / B
        out_ref[0] = (acc_ref[0] / (B * Q)
                      + acc_ref[1] / (B * T)
                      + acc_ref[2] / (B * T)
                      + occ_loss)


def _combine_kernel(gbin_ref, gtrue_ref, partial_ref, out_ref):
    k_iota = lax.broadcasted_iota(jnp.int32, (PAIRS // 2, 2 * WPAD), 1)
    valid = ((k_iota & (WPAD - 1)) < NWIN).astype(jnp.float32)
    bce_sum = jnp.sum(valid * _bce(gbin_ref[:, :], gtrue_ref[:, :]))
    out_ref[0] = partial_ref[0] + bce_sum / (B * T * NWIN)


@jax.jit
def kernel(is_electron_logit, positions, position_std_dev_cholesky, true_segmap,
           binary_mask_logits, portion_logits, occupancy_logits, incidence_points,
           matched_pred, occupancy_target):
    portion = portion_logits.reshape(B, HW, Q)
    true = true_segmap.reshape(B, HW, T)
    matched3 = matched_pred.reshape(B, 1, T)
    inc_t = incidence_points.transpose(0, 2, 1)
    ie = is_electron_logit.reshape(B, 1, Q)
    pos = positions.reshape(B, Q, 2)
    chol = position_std_dev_cholesky.reshape(B, Q, 2, 2)
    packed = jnp.concatenate(
        [pos, chol[..., 0, 0:1], chol[..., 1, 0:1], chol[..., 1, 1:2],
         jnp.zeros((B, Q, 3), jnp.float32)], axis=-1)
    occ_oh = (occupancy_target[:, None] ==
              jnp.arange(C_OCC, dtype=jnp.int32)[None, :]).astype(jnp.float32)

    k = jnp.minimum(jnp.arange(WPAD, dtype=jnp.int32), NWIN - 1)
    boff = (k // WIN) * (W * Q) + (k % WIN) * Q
    toff = (k // WIN) * (W * T) + (k % WIN) * T

    gbin, gtrue = _sc_gather_call(
        binary_mask_logits.reshape(-1), true_segmap.reshape(-1),
        inc_t.reshape(-1), matched_pred.reshape(-1), boff, toff)

    partial = pl.pallas_call(
        _main_kernel,
        grid=(B,),
        in_specs=[
            pl.BlockSpec((1, HW, Q), lambda b: (b, 0, 0)),
            pl.BlockSpec((1, HW, T), lambda b: (b, 0, 0)),
            pl.BlockSpec((1, 1, T), lambda b: (b, 0, 0)),
            pl.BlockSpec((1, 2, T), lambda b: (b, 0, 0)),
            pl.BlockSpec((1, 1, Q), lambda b: (b, 0, 0)),
            pl.BlockSpec((1, Q, 8), lambda b: (b, 0, 0)),
            pl.BlockSpec((B, C_OCC), lambda b: (0, 0)),
            pl.BlockSpec((B, C_OCC), lambda b: (0, 0)),
        ],
        out_specs=pl.BlockSpec(memory_space=pltpu.SMEM),
        out_shape=jax.ShapeDtypeStruct((1,), jnp.float32),
        scratch_shapes=[pltpu.SMEM((8,), jnp.float32)],
    )(portion, true, matched3, inc_t, ie, packed, occupancy_logits, occ_oh)

    out = pl.pallas_call(
        _combine_kernel,
        in_specs=[
            pl.BlockSpec((PAIRS // 2, 2 * WPAD), lambda: (0, 0)),
            pl.BlockSpec((PAIRS // 2, 2 * WPAD), lambda: (0, 0)),
            pl.BlockSpec(memory_space=pltpu.SMEM),
        ],
        out_specs=pl.BlockSpec(memory_space=pltpu.SMEM),
        out_shape=jax.ShapeDtypeStruct((1,), jnp.float32),
    )(gbin, gtrue, partial)
    return out[0]

# --- scband reference (transcript-rebuilt; emitter-appended) ---
"""Pipeline reference for scband-criterion-32830730011569 (READ-ONLY COPY).

The authoritative reference and input builder live on the scoring server;
editing this copy changes nothing except your own understanding.
"""

import jax, jax.numpy as jnp
import numpy as np

B, Q, T, H, W = 4, 128, 64, 64, 64
WIN = 7
C_OCC = 8
NO_ELECTRON_WEIGHT = 0.1


def _bce_logits(x, y):
    return jnp.maximum(x, 0.0) - x * y + jnp.log1p(jnp.exp(-jnp.abs(x)))


def setup_inputs(seed: int = 0):
    key = jax.random.key(seed)
    ks = jax.random.split(key, 12)
    is_electron_logit = jax.random.normal(ks[0], (B * Q,), jnp.float32)
    positions = jax.random.uniform(ks[1], (B * Q, 2), jnp.float32, 4.0, 60.0)
    lraw = jax.random.normal(ks[2], (B * Q, 2, 2), jnp.float32) * 0.1
    diag = jnp.exp(jax.random.normal(ks[3], (B * Q, 2), jnp.float32) * 0.1)
    chol = jnp.tril(lraw, -1) + jax.vmap(jnp.diag)(diag)
    true_segmap = (jax.random.uniform(ks[4], (B, H, W, T)) < 0.05).astype(jnp.float32)
    binary_mask_logits = jax.random.normal(ks[5], (B, H, W, Q), jnp.float32)
    portion_logits = jax.random.normal(ks[6], (B, H, W, Q), jnp.float32)
    occupancy_logits = jax.random.normal(ks[7], (B, C_OCC), jnp.float32)
    occupancy_target = jax.random.randint(ks[8], (B,), 0, C_OCC, jnp.int32)
    matched_pred = jnp.stack([jax.random.permutation(jax.random.fold_in(ks[9], b), Q)[:T] for b in range(B)]).astype(jnp.int32)
    incidence_points = jax.random.uniform(ks[10], (B, T, 2), jnp.float32, 4.0, 60.0)
    return {
        'is_electron_logit': is_electron_logit,
        'positions': positions,
        'position_std_dev_cholesky': chol,
        'true_segmap': true_segmap,
        'binary_mask_logits': binary_mask_logits,
        'portion_logits': portion_logits,
        'occupancy_logits': occupancy_logits,
        'incidence_points': incidence_points,
        'matched_pred': matched_pred,
        'occupancy_target': occupancy_target,
    }


def reference(is_electron_logit, positions, position_std_dev_cholesky, true_segmap,
              binary_mask_logits, portion_logits, occupancy_logits, incidence_points,
              matched_pred, occupancy_target):
    # ---- class loss (weighted BCE over all queries; matched queries are positives) ----
    flat = (matched_pred + jnp.arange(B, dtype=jnp.int32)[:, None] * Q).reshape(-1)
    labels = jnp.zeros((B * Q,), jnp.float32).at[flat].set(1.0)
    weights = jnp.where(labels > 0, 1.0, NO_ELECTRON_WEIGHT)
    class_loss = jnp.mean(weights * _bce_logits(is_electron_logit, labels))
    # ---- reorder predicted segmentation maps by matched query order ----
    b_ix = jnp.arange(B)[:, None]
    reordered_binary = jnp.take_along_axis(binary_mask_logits, matched_pred[:, None, None, :], axis=3)
    reordered_portion = jnp.take_along_axis(portion_logits, matched_pred[:, None, None, :], axis=3)
    # true segmap is already ordered by matched true indices (identity matching)
    # ---- mask BCE loss over WIN x WIN windows around each incidence point ----
    rc = jnp.floor(incidence_points).astype(jnp.int32)
    half = WIN // 2
    dr, dc = jnp.meshgrid(jnp.arange(-half, half + 1), jnp.arange(-half, half + 1), indexing='ij')
    rows = jnp.clip(rc[..., 0][:, :, None, None] + dr, 0, H - 1)
    cols = jnp.clip(rc[..., 1][:, :, None, None] + dc, 0, W - 1)
    bb = jnp.arange(B)[:, None, None, None]
    tt = jnp.arange(T)[None, :, None, None]
    true_win = true_segmap[bb, rows, cols, tt]
    pred_win = reordered_binary[bb, rows, cols, tt]
    bce_loss = jnp.mean(_bce_logits(pred_win, true_win))
    # ---- dice loss on portion logits vs true segmap ----
    p = jax.nn.sigmoid(reordered_portion)
    num = 2.0 * jnp.sum(p * true_segmap, axis=(1, 2))
    den = jnp.sum(p, axis=(1, 2)) + jnp.sum(true_segmap, axis=(1, 2))
    dice_loss = jnp.mean(1.0 - (num + 1.0) / (den + 1.0))
    # ---- incidence-point Gaussian NLL with Cholesky covariance factor ----
    pos = positions.reshape(B, Q, 2)[b_ix, matched_pred]
    L = position_std_dev_cholesky.reshape(B, Q, 2, 2)[b_ix, matched_pred]
    diff = incidence_points - pos
    z = jax.scipy.linalg.solve_triangular(L, diff[..., None], lower=True)[..., 0]
    logdet = jnp.log(jnp.abs(L[..., 0, 0])) + jnp.log(jnp.abs(L[..., 1, 1]))
    nll = 0.5 * jnp.sum(z * z, axis=-1) + logdet + jnp.log(2.0 * jnp.pi)
    nll_loss = jnp.mean(nll)
    # ---- occupancy cross-entropy ----
    logp = jax.nn.log_softmax(occupancy_logits, axis=-1)
    occ_loss = -jnp.mean(jnp.take_along_axis(logp, occupancy_target[:, None].astype(jnp.int32), axis=1))
    loss = (1.0 * class_loss + 1.0 * bce_loss + 1.0 * dice_loss + 1.0 * nll_loss + 1.0 * occ_loss)
    return loss

if __name__ == "__main__":
    import jax
    _d = setup_inputs()
    print(jax.jit(kernel)(*tuple(_d.values())))

</pallas_src>

<mosaic_0001>
#map = affine_map<(d0, d1) -> (0)>
#map1 = affine_map<(d0, d1) -> (0, 0)>
module attributes {stable_mosaic.version = 14 : i64} {
  func.func @_sc_window_gather(%arg0: i32, %arg1: i32, %arg2: memref<2097152xf32, #tpu.memory_space<hbm>>, %arg3: memref<1048576xf32, #tpu.memory_space<hbm>>, %arg4: memref<512xf32, #tpu.memory_space<hbm>>, %arg5: memref<256xi32, #tpu.memory_space<hbm>>, %arg6: memref<64xi32, #tpu.memory_space<hbm>>, %arg7: memref<64xi32, #tpu.memory_space<hbm>>, %arg8: memref<128x128xf32, #tpu.memory_space<hbm>>, %arg9: memref<128x128xf32, #tpu.memory_space<hbm>>, %arg10: memref<16xf32, #tpu.memory_space<vmem>>, %arg11: memref<16xf32, #tpu.memory_space<vmem>>, %arg12: memref<16xi32, #tpu.memory_space<vmem>>, %arg13: memref<64xi32, #tpu.memory_space<vmem>>, %arg14: memref<64xi32, #tpu.memory_space<vmem>>, %arg15: memref<4x128xi32, #tpu.memory_space<vmem>>, %arg16: memref<4x128xi32, #tpu.memory_space<vmem>>, %arg17: memref<4x128xf32, #tpu.memory_space<vmem>>, %arg18: memref<4x128xf32, #tpu.memory_space<vmem>>, %arg19: memref<!tpu.dma_semaphore, #tpu.memory_space<semaphore_mem>>, %arg20: memref<!tpu.dma_semaphore, #tpu.memory_space<semaphore_mem>>) attributes {dimension_semantics = [#tpu.dimension_semantics<core_parallel>, #tpu.dimension_semantics<subcore_parallel>], iteration_bounds = array<i64: 2, 16>, scalar_prefetch = 0 : i64, scratch_operands = 11 : i64, tpu.core_type = #tpu.core_type<sc_vector_subcore>, window_params = [{transform_indices = #map}, {transform_indices = #map}, {transform_indices = #map}, {transform_indices = #map}, {transform_indices = #map}, {transform_indices = #map}, {transform_indices = #map1}, {transform_indices = #map1}]} {
    %mul3A = arith.constant 2 : i32
    %mul3A_0 = arith.muli %arg1, %mul3A : i32
    %add3A = arith.addi %mul3A_0, %arg0 : i32
    %mul3A_1 = arith.constant 8 : i32
    %mul3A_2 = arith.muli %add3A, %mul3A_1 : i32
    %shift_right_logical3A = arith.constant 3 : i32
    %shift_right_logical3A_3 = arith.shrui %add3A, %shift_right_logical3A : i32
    %mul3A_4 = arith.constant 64 : i32
    %mul3A_5 = arith.muli %shift_right_logical3A_3, %mul3A_4 : i32
    %add3A_6 = arith.addi %mul3A_2, %mul3A_5 : i32
    "tpu.region"() ({
      %run_scoped3A = tpu.sem_alloc : memref<!tpu.dma_semaphore, #tpu.memory_space<semaphore_mem>>
      %dma_start3A_1033 = arith.constant 0 : i32
      %dma_start3A_1034 = tpu.memref_slice %arg10[%dma_start3A_1033] : memref<16xf32, #tpu.memory_space<vmem>> -> memref<8xf32, #tpu.memory_space<vmem>>
      %dma_start3A_1035 = tpu.memref_slice %arg4[%add3A_6] : memref<512xf32, #tpu.memory_space<hbm>> -> memref<8xf32, #tpu.memory_space<hbm>>
      %dma_start3A_1036 = arith.constant 0 : i32
      %dma_start3A_1037 = tpu.memref_slice %arg10[%dma_start3A_1036] : memref<16xf32, #tpu.memory_space<vmem>> -> memref<8xf32, #tpu.memory_space<vmem>>
      %dma_start3A_1038 = tpu.memref_slice %arg4[%add3A_6] : memref<512xf32, #tpu.memory_space<hbm>> -> memref<8xf32, #tpu.memory_space<hbm>>
      tpu.enqueue_dma source(%dma_start3A_1038 : memref<8xf32, #tpu.memory_space<hbm>>) target(%dma_start3A_1037 : memref<8xf32, #tpu.memory_space<vmem>>) target_semaphore(%run_scoped3A : memref<!tpu.dma_semaphore, #tpu.memory_space<semaphore_mem>>)
      %dma_wait3A_1039 = arith.constant 0 : i32
      %dma_wait3A_1040 = tpu.memref_slice %arg10[%dma_wait3A_1039] : memref<16xf32, #tpu.memory_space<vmem>> -> memref<8xf32, #tpu.memory_space<vmem>>
      %dma_wait3A_1041 = tpu.memref_slice %arg4[%add3A_6] : memref<512xf32, #tpu.memory_space<hbm>> -> memref<8xf32, #tpu.memory_space<hbm>>
      %dma_wait3A_1042 = arith.constant 0 : i32
      %dma_wait3A_1043 = tpu.memref_slice %arg10[%dma_wait3A_1042] : memref<16xf32, #tpu.memory_space<vmem>> -> memref<8xf32, #tpu.memory_space<vmem>>
      %dma_wait3A_1044 = tpu.memref_slice %arg4[%add3A_6] : memref<512xf32, #tpu.memory_space<hbm>> -> memref<8xf32, #tpu.memory_space<hbm>>
      tpu.wait_dma2 semaphore(%run_scoped3A : memref<!tpu.dma_semaphore, #tpu.memory_space<semaphore_mem>>) src(%dma_wait3A_1044 : memref<8xf32, #tpu.memory_space<hbm>>) dst(%dma_wait3A_1043 : memref<8xf32, #tpu.memory_space<vmem>>)
      tpu.yield
    }) : () -> ()
    %mul3A_7 = arith.constant 64 : i32
    %mul3A_8 = arith.muli %shift_right_logical3A_3, %mul3A_7 : i32
    %add3A_9 = arith.addi %mul3A_2, %mul3A_8 : i32
    %add3A_10 = arith.constant 64 : i32
    %add3A_11 = arith.addi %add3A_9, %add3A_10 : i32
    "tpu.region"() ({
      %run_scoped3A = tpu.sem_alloc : memref<!tpu.dma_semaphore, #tpu.memory_space<semaphore_mem>>
      %dma_start3A_1033 = arith.constant 0 : i32
      %dma_start3A_1034 = tpu.memref_slice %arg11[%dma_start3A_1033] : memref<16xf32, #tpu.memory_space<vmem>> -> memref<8xf32, #tpu.memory_space<vmem>>
      %dma_start3A_1035 = tpu.memref_slice %arg4[%add3A_11] : memref<512xf32, #tpu.memory_space<hbm>> -> memref<8xf32, #tpu.memory_space<hbm>>
      %dma_start3A_1036 = arith.constant 0 : i32
      %dma_start3A_1037 = tpu.memref_slice %arg11[%dma_start3A_1036] : memref<16xf32, #tpu.memory_space<vmem>> -> memref<8xf32, #tpu.memory_space<vmem>>
      %dma_start3A_1038 = tpu.memref_slice %arg4[%add3A_11] : memref<512xf32, #tpu.memory_space<hbm>> -> memref<8xf32, #tpu.memory_space<hbm>>
      tpu.enqueue_dma source(%dma_start3A_1038 : memref<8xf32, #tpu.memory_space<hbm>>) target(%dma_start3A_1037 : memref<8xf32, #tpu.memory_space<vmem>>) target_semaphore(%run_scoped3A : memref<!tpu.dma_semaphore, #tpu.memory_space<semaphore_mem>>)
      %dma_wait3A_1039 = arith.constant 0 : i32
      %dma_wait3A_1040 = tpu.memref_slice %arg11[%dma_wait3A_1039] : memref<16xf32, #tpu.memory_space<vmem>> -> memref<8xf32, #tpu.memory_space<vmem>>
      %dma_wait3A_1041 = tpu.memref_slice %arg4[%add3A_11] : memref<512xf32, #tpu.memory_space<hbm>> -> memref<8xf32, #tpu.memory_space<hbm>>
      %dma_wait3A_1042 = arith.constant 0 : i32
      %dma_wait3A_1043 = tpu.memref_slice %arg11[%dma_wait3A_1042] : memref<16xf32, #tpu.memory_space<vmem>> -> memref<8xf32, #tpu.memory_space<vmem>>
      %dma_wait3A_1044 = tpu.memref_slice %arg4[%add3A_11] : memref<512xf32, #tpu.memory_space<hbm>> -> memref<8xf32, #tpu.memory_space<hbm>>
      tpu.wait_dma2 semaphore(%run_scoped3A : memref<!tpu.dma_semaphore, #tpu.memory_space<semaphore_mem>>) src(%dma_wait3A_1044 : memref<8xf32, #tpu.memory_space<hbm>>) dst(%dma_wait3A_1043 : memref<8xf32, #tpu.memory_space<vmem>>)
      tpu.yield
    }) : () -> ()
    "tpu.region"() ({
      %run_scoped3A = tpu.sem_alloc : memref<!tpu.dma_semaphore, #tpu.memory_space<semaphore_mem>>
      %dma_start3A_1033 = arith.constant 0 : i32
      %dma_start3A_1034 = tpu.memref_slice %arg12[%dma_start3A_1033] : memref<16xi32, #tpu.memory_space<vmem>> -> memref<8xi32, #tpu.memory_space<vmem>>
      %dma_start3A_1035 = tpu.memref_slice %arg5[%mul3A_2] : memref<256xi32, #tpu.memory_space<hbm>> -> memref<8xi32, #tpu.memory_space<hbm>>
      %dma_start3A_1036 = arith.constant 0 : i32
      %dma_start3A_1037 = tpu.memref_slice %arg12[%dma_start3A_1036] : memref<16xi32, #tpu.memory_space<vmem>> -> memref<8xi32, #tpu.memory_space<vmem>>
      %dma_start3A_1038 = tpu.memref_slice %arg5[%mul3A_2] : memref<256xi32, #tpu.memory_space<hbm>> -> memref<8xi32, #tpu.memory_space<hbm>>
      tpu.enqueue_dma source(%dma_start3A_1038 : memref<8xi32, #tpu.memory_space<hbm>>) target(%dma_start3A_1037 : memref<8xi32, #tpu.memory_space<vmem>>) target_semaphore(%run_scoped3A : memref<!tpu.dma_semaphore, #tpu.memory_space<semaphore_mem>>)
      %dma_wait3A_1039 = arith.constant 0 : i32
      %dma_wait3A_1040 = tpu.memref_slice %arg12[%dma_wait3A_1039] : memref<16xi32, #tpu.memory_space<vmem>> -> memref<8xi32, #tpu.memory_space<vmem>>
      %dma_wait3A_1041 = tpu.memref_slice %arg5[%mul3A_2] : memref<256xi32, #tpu.memory_space<hbm>> -> memref<8xi32, #tpu.memory_space<hbm>>
      %dma_wait3A_1042 = arith.constant 0 : i32
      %dma_wait3A_1043 = tpu.memref_slice %arg12[%dma_wait3A_1042] : memref<16xi32, #tpu.memory_space<vmem>> -> memref<8xi32, #tpu.memory_space<vmem>>
      %dma_wait3A_1044 = tpu.memref_slice %arg5[%mul3A_2] : memref<256xi32, #tpu.memory_space<hbm>> -> memref<8xi32, #tpu.memory_space<hbm>>
      tpu.wait_dma2 semaphore(%run_scoped3A : memref<!tpu.dma_semaphore, #tpu.memory_space<semaphore_mem>>) src(%dma_wait3A_1044 : memref<8xi32, #tpu.memory_space<hbm>>) dst(%dma_wait3A_1043 : memref<8xi32, #tpu.memory_space<vmem>>)
      tpu.yield
    }) : () -> ()
    "tpu.region"() ({
      %run_scoped3A = tpu.sem_alloc : memref<!tpu.dma_semaphore, #tpu.memory_space<semaphore_mem>>
      tpu.enqueue_dma source(%arg6 : memref<64xi32, #tpu.memory_space<hbm>>) target(%arg13 : memref<64xi32, #tpu.memory_space<vmem>>) target_semaphore(%run_scoped3A : memref<!tpu.dma_semaphore, #tpu.memory_space<semaphore_mem>>)
      tpu.wait_dma2 semaphore(%run_scoped3A : memref<!tpu.dma_semaphore, #tpu.memory_space<semaphore_mem>>) src(%arg6 : memref<64xi32, #tpu.memory_space<hbm>>) dst(%arg13 : memref<64xi32, #tpu.memory_space<vmem>>)
      tpu.yield
    }) : () -> ()
    "tpu.region"() ({
      %run_scoped3A = tpu.sem_alloc : memref<!tpu.dma_semaphore, #tpu.memory_space<semaphore_mem>>
      tpu.enqueue_dma source(%arg7 : memref<64xi32, #tpu.memory_space<hbm>>) target(%arg14 : memref<64xi32, #tpu.memory_space<vmem>>) target_semaphore(%run_scoped3A : memref<!tpu.dma_semaphore, #tpu.memory_space<semaphore_mem>>)
      tpu.wait_dma2 semaphore(%run_scoped3A : memref<!tpu.dma_semaphore, #tpu.memory_space<semaphore_mem>>) src(%arg7 : memref<64xi32, #tpu.memory_space<hbm>>) dst(%arg14 : memref<64xi32, #tpu.memory_space<vmem>>)
      tpu.yield
    }) : () -> ()
    %iota3A = tpu.iota {dimensions = array<i32: 0>} : vector<16xi32>
    %get3A = arith.constant 0 : index
    %get3A_12 = tpu.vector_load %arg10[%get3A] {strides = array<i32>} : memref<16xf32, #tpu.memory_space<vmem>>, vector<16xf32>,
    %get3A_13 = vector.shape_cast %get3A_12 : vector<16xf32> to vector<16xf32>
    %convert_element_type3A = arith.fptosi %get3A_13 : vector<16xf32> to vector<16xi32>
    %get3A_14 = arith.constant 0 : index
    %get3A_15 = tpu.vector_load %arg11[%get3A_14] {strides = array<i32>} : memref<16xf32, #tpu.memory_space<vmem>>, vector<16xf32>,
    %get3A_16 = vector.shape_cast %get3A_15 : vector<16xf32> to vector<16xf32>
    %convert_element_type3A_17 = arith.fptosi %get3A_16 : vector<16xf32> to vector<16xi32>
    %get3A_18 = arith.constant 0 : index
    %get3A_19 = tpu.vector_load %arg12[%get3A_18] {strides = array<i32>} : memref<16xi32, #tpu.memory_space<vmem>>, vector<16xi32>,
    %get3A_20 = vector.shape_cast %get3A_19 : vector<16xi32> to vector<16xi32>
    %add3A_21 = vector.broadcast %mul3A_2 : i32 to vector<16xi32>
    %add3A_22 = arith.addi %add3A_21, %iota3A : vector<16xi32>
    %and3A = arith.constant 63 : i32
    %and3A_23 = vector.broadcast %and3A : i32 to vector<16xi32>
    %and3A_24 = arith.andi %add3A_22, %and3A_23 : vector<16xi32>
    %mul3A_25 = arith.constant 524288 : i32
    %mul3A_26 = arith.muli %shift_right_logical3A_3, %mul3A_25 : i32
    %sub3A = arith.constant 3 : i32
    %sub3A_27 = vector.broadcast %sub3A : i32 to vector<16xi32>
    %sub3A_28 = arith.subi %convert_element_type3A, %sub3A_27 : vector<16xi32>
    %mul3A_29 = arith.constant 8192 : i32
    %mul3A_30 = vector.broadcast %mul3A_29 : i32 to vector<16xi32>
    %mul3A_31 = arith.muli %sub3A_28, %mul3A_30 : vector<16xi32>
    %add3A_32 = vector.broadcast %mul3A_26 : i32 to vector<16xi32>
    %add3A_33 = arith.addi %add3A_32, %mul3A_31 : vector<16xi32>
    %sub3A_34 = arith.constant 3 : i32
    %sub3A_35 = vector.broadcast %sub3A_34 : i32 to vector<16xi32>
    %sub3A_36 = arith.subi %convert_element_type3A_17, %sub3A_35 : vector<16xi32>
    %mul3A_37 = arith.constant 128 : i32
    %mul3A_38 = vector.broadcast %mul3A_37 : i32 to vector<16xi32>
    %mul3A_39 = arith.muli %sub3A_36, %mul3A_38 : vector<16xi32>
    %add3A_40 = arith.addi %add3A_33, %mul3A_39 : vector<16xi32>
    %add3A_41 = arith.addi %add3A_40, %get3A_20 : vector<16xi32>
    %mul3A_42 = arith.constant 262144 : i32
    %mul3A_43 = arith.muli %shift_right_logical3A_3, %mul3A_42 : i32
    %sub3A_44 = arith.constant 3 : i32
    %sub3A_45 = vector.broadcast %sub3A_44 : i32 to vector<16xi32>
    %sub3A_46 = arith.subi %convert_element_type3A, %sub3A_45 : vector<16xi32>
    %mul3A_47 = arith.constant 4096 : i32
    %mul3A_48 = vector.broadcast %mul3A_47 : i32 to vector<16xi32>
    %mul3A_49 = arith.muli %sub3A_46, %mul3A_48 : vector<16xi32>
    %add3A_50 = vector.broadcast %mul3A_43 : i32 to vector<16xi32>
    %add3A_51 = arith.addi %add3A_50, %mul3A_49 : vector<16xi32>
    %sub3A_52 = arith.constant 3 : i32
    %sub3A_53 = vector.broadcast %sub3A_52 : i32 to vector<16xi32>
    %sub3A_54 = arith.subi %convert_element_type3A_17, %sub3A_53 : vector<16xi32>
    %mul3A_55 = arith.constant 64 : i32
    %mul3A_56 = vector.broadcast %mul3A_55 : i32 to vector<16xi32>
    %mul3A_57 = arith.muli %sub3A_54, %mul3A_56 : vector<16xi32>
    %add3A_58 = arith.addi %add3A_51, %mul3A_57 : vector<16xi32>
    %add3A_59 = arith.addi %add3A_58, %and3A_24 : vector<16xi32>
    %broadcast_in_dim3A = arith.constant 0 : i32
    %broadcast_in_dim3A_60 = vector.broadcast %broadcast_in_dim3A : i32 to vector<16xi32>
    %lt3A = arith.constant 0 : i32
    %lt3A_61 = vector.broadcast %lt3A : i32 to vector<16xi32>
    %lt3A_62 = arith.cmpi slt, %broadcast_in_dim3A_60, %lt3A_61 : vector<16xi32>
    %add3A_63 = arith.constant 16 : i32
    %add3A_64 = vector.broadcast %add3A_63 : i32 to vector<16xi32>
    %add3A_65 = arith.addi %broadcast_in_dim3A_60, %add3A_64 : vector<16xi32>
    %select_n3A = arith.select %lt3A_62, %add3A_65, %broadcast_in_dim3A_60 : vector<16xi1>, vector<16xi32>
    %broadcast_in_dim3A_66 = vector.shape_cast %select_n3A : vector<16xi32> to vector<16x1xi32>
    %gather3A = vector.shape_cast %broadcast_in_dim3A_66 : vector<16x1xi32> to vector<16xi32>
    %gather3A_67 = tpu.dynamic_gather %add3A_41[%gather3A] in [0] : vector<16xi32>, vector<16xi32> -> vector<16xi32>
    %lt3A_68 = arith.constant 0 : i32
    %lt3A_69 = vector.broadcast %lt3A_68 : i32 to vector<16xi32>
    %lt3A_70 = arith.cmpi slt, %broadcast_in_dim3A_60, %lt3A_69 : vector<16xi32>
    %add3A_71 = arith.constant 16 : i32
    %add3A_72 = vector.broadcast %add3A_71 : i32 to vector<16xi32>
    %add3A_73 = arith.addi %broadcast_in_dim3A_60, %add3A_72 : vector<16xi32>
    %select_n3A_74 = arith.select %lt3A_70, %add3A_73, %broadcast_in_dim3A_60 : vector<16xi1>, vector<16xi32>
    %broadcast_in_dim3A_75 = vector.shape_cast %select_n3A_74 : vector<16xi32> to vector<16x1xi32>
    %gather3A_76 = vector.shape_cast %broadcast_in_dim3A_75 : vector<16x1xi32> to vector<16xi32>
    %gather3A_77 = tpu.dynamic_gather %add3A_59[%gather3A_76] in [0] : vector<16xi32>, vector<16xi32> -> vector<16xi32>
    %get3A_78 = arith.constant 0 : index
    %get3A_79 = tpu.vector_load %arg13[%get3A_78] {strides = array<i32>} : memref<64xi32, #tpu.memory_space<vmem>>, vector<16xi32>,
    %get3A_80 = vector.shape_cast %get3A_79 : vector<16xi32> to vector<16xi32>
    %get3A_81 = arith.constant 0 : index
    %get3A_82 = tpu.vector_load %arg14[%get3A_81] {strides = array<i32>} : memref<64xi32, #tpu.memory_space<vmem>>, vector<16xi32>,
    %get3A_83 = vector.shape_cast %get3A_82 : vector<16xi32> to vector<16xi32>
    %add3A_84 = arith.addi %gather3A_67, %get3A_80 : vector<16xi32>
    %swap3A = arith.constant 0 : i32
    %swap3A_85 = arith.index_cast %swap3A : i32 to index
    %swap3A_86 = arith.constant 0 : index
    %swap3A_87 = tpu.vector_load %arg15[%swap3A_85, %swap3A_86] {strides = array<i32>} : memref<4x128xi32, #tpu.memory_space<vmem>>, vector<1x16xi32>,
    %swap3A_88 = vector.shape_cast %swap3A_87 : vector<1x16xi32> to vector<16xi32>
    %swap3A_89 = vector.shape_cast %add3A_84 : vector<16xi32> to vector<1x16xi32>
    tpu.vector_store %arg15[%swap3A_85, %swap3A_86], %swap3A_89 {strides = array<i32>} : memref<4x128xi32, #tpu.memory_space<vmem>>, vector<1x16xi32>,
    %add3A_90 = arith.addi %gather3A_77, %get3A_83 : vector<16xi32>
    %swap3A_91 = arith.constant 0 : i32
    %swap3A_92 = arith.index_cast %swap3A_91 : i32 to index
    %swap3A_93 = arith.constant 0 : index
    %swap3A_94 = tpu.vector_load %arg16[%swap3A_92, %swap3A_93] {strides = array<i32>} : memref<4x128xi32, #tpu.memory_space<vmem>>, vector<1x16xi32>,
    %swap3A_95 = vector.shape_cast %swap3A_94 : vector<1x16xi32> to vector<16xi32>
    %swap3A_96 = vector.shape_cast %add3A_90 : vector<16xi32> to vector<1x16xi32>
    tpu.vector_store %arg16[%swap3A_92, %swap3A_93], %swap3A_96 {strides = array<i32>} : memref<4x128xi32, #tpu.memory_space<vmem>>, vector<1x16xi32>,
    %get3A_97 = arith.constant 16 : index
    %get3A_98 = tpu.vector_load %arg13[%get3A_97] {strides = array<i32>} : memref<64xi32, #tpu.memory_space<vmem>>, vector<16xi32>,
    %get3A_99 = vector.shape_cast %get3A_98 : vector<16xi32> to vector<16xi32>
    %get3A_100 = arith.constant 16 : index
    %get3A_101 = tpu.vector_load %arg14[%get3A_100] {strides = array<i32>} : memref<64xi32, #tpu.memory_space<vmem>>, vector<16xi32>,
    %get3A_102 = vector.shape_cast %get3A_101 : vector<16xi32> to vector<16xi32>
    %add3A_103 = arith.addi %gather3A_67, %get3A_99 : vector<16xi32>
    %swap3A_104 = arith.constant 0 : i32
    %swap3A_105 = arith.index_cast %swap3A_104 : i32 to index
    %swap3A_106 = arith.constant 16 : index
    %swap3A_107 = tpu.vector_load %arg15[%swap3A_105, %swap3A_106] {strides = array<i32>} : memref<4x128xi32, #tpu.memory_space<vmem>>, vector<1x16xi32>,
    %swap3A_108 = vector.shape_cast %swap3A_107 : vector<1x16xi32> to vector<16xi32>
    %swap3A_109 = vector.shape_cast %add3A_103 : vector<16xi32> to vector<1x16xi32>
    tpu.vector_store %arg15[%swap3A_105, %swap3A_106], %swap3A_109 {strides = array<i32>} : memref<4x128xi32, #tpu.memory_space<vmem>>, vector<1x16xi32>,
    %add3A_110 = arith.addi %gather3A_77, %get3A_102 : vector<16xi32>
    %swap3A_111 = arith.constant 0 : i32
    %swap3A_112 = arith.index_cast %swap3A_111 : i32 to index
    %swap3A_113 = arith.constant 16 : index
    %swap3A_114 = tpu.vector_load %arg16[%swap3A_112, %swap3A_113] {strides = array<i32>} : memref<4x128xi32, #tpu.memory_space<vmem>>, vector<1x16xi32>,
    %swap3A_115 = vector.shape_cast %swap3A_114 : vector<1x16xi32> to vector<16xi32>
    %swap3A_116 = vector.shape_cast %add3A_110 : vector<16xi32> to vector<1x16xi32>
    tpu.vector_store %arg16[%swap3A_112, %swap3A_113], %swap3A_116 {strides = array<i32>} : memref<4x128xi32, #tpu.memory_space<vmem>>, vector<1x16xi32>,
    %get3A_117 = arith.constant 32 : index
    %get3A_118 = tpu.vector_load %arg13[%get3A_117] {strides = array<i32>} : memref<64xi32, #tpu.memory_space<vmem>>, vector<16xi32>,
    %get3A_119 = vector.shape_cast %get3A_118 : vector<16xi32> to vector<16xi32>
    %get3A_120 = arith.constant 32 : index
    %get3A_121 = tpu.vector_load %arg14[%get3A_120] {strides = array<i32>} : memref<64xi32, #tpu.memory_space<vmem>>, vector<16xi32>,
    %get3A_122 = vector.shape_cast %get3A_121 : vector<16xi32> to vector<16xi32>
    %add3A_123 = arith.addi %gather3A_67, %get3A_119 : vector<16xi32>
    %swap3A_124 = arith.constant 0 : i32
    %swap3A_125 = arith.index_cast %swap3A_124 : i32 to index
    %swap3A_126 = arith.constant 32 : index
    %swap3A_127 = tpu.vector_load %arg15[%swap3A_125, %swap3A_126] {strides = array<i32>} : memref<4x128xi32, #tpu.memory_space<vmem>>, vector<1x16xi32>,
    %swap3A_128 = vector.shape_cast %swap3A_127 : vector<1x16xi32> to vector<16xi32>
    %swap3A_129 = vector.shape_cast %add3A_123 : vector<16xi32> to vector<1x16xi32>
    tpu.vector_store %arg15[%swap3A_125, %swap3A_126], %swap3A_129 {strides = array<i32>} : memref<4x128xi32, #tpu.memory_space<vmem>>, vector<1x16xi32>,
    %add3A_130 = arith.addi %gather3A_77, %get3A_122 : vector<16xi32>
    %swap3A_131 = arith.constant 0 : i32
    %swap3A_132 = arith.index_cast %swap3A_131 : i32 to index
    %swap3A_133 = arith.constant 32 : index
    %swap3A_134 = tpu.vector_load %arg16[%swap3A_132, %swap3A_133] {strides = array<i32>} : memref<4x128xi32, #tpu.memory_space<vmem>>, vector<1x16xi32>,
    %swap3A_135 = vector.shape_cast %swap3A_134 : vector<1x16xi32> to vector<16xi32>
    %swap3A_136 = vector.shape_cast %add3A_130 : vector<16xi32> to vector<1x16xi32>
    tpu.vector_store %arg16[%swap3A_132, %swap3A_133], %swap3A_136 {strides = array<i32>} : memref<4x128xi32, #tpu.memory_space<vmem>>, vector<1x16xi32>,
    %get3A_137 = arith.constant 48 : index
    %get3A_138 = tpu.vector_load %arg13[%get3A_137] {strides = array<i32>} : memref<64xi32, #tpu.memory_space<vmem>>, vector<16xi32>,
    %get3A_139 = vector.shape_cast %get3A_138 : vector<16xi32> to vector<16xi32>
    %get3A_140 = arith.constant 48 : index
    %get3A_141 = tpu.vector_load %arg14[%get3A_140] {strides = array<i32>} : memref<64xi32, #tpu.memory_space<vmem>>, vector<16xi32>,
    %get3A_142 = vector.shape_cast %get3A_141 : vector<16xi32> to vector<16xi32>
    %add3A_143 = arith.addi %gather3A_67, %get3A_139 : vector<16xi32>
    %swap3A_144 = arith.constant 0 : i32
    %swap3A_145 = arith.index_cast %swap3A_144 : i32 to index
    %swap3A_146 = arith.constant 48 : index
    %swap3A_147 = tpu.vector_load %arg15[%swap3A_145, %swap3A_146] {strides = array<i32>} : memref<4x128xi32, #tpu.memory_space<vmem>>, vector<1x16xi32>,
    %swap3A_148 = vector.shape_cast %swap3A_147 : vector<1x16xi32> to vector<16xi32>
    %swap3A_149 = vector.shape_cast %add3A_143 : vector<16xi32> to vector<1x16xi32>
    tpu.vector_store %arg15[%swap3A_145, %swap3A_146], %swap3A_149 {strides = array<i32>} : memref<4x128xi32, #tpu.memory_space<vmem>>, vector<1x16xi32>,
    %add3A_150 = arith.addi %gather3A_77, %get3A_142 : vector<16xi32>
    %swap3A_151 = arith.constant 0 : i32
    %swap3A_152 = arith.index_cast %swap3A_151 : i32 to index
    %swap3A_153 = arith.constant 48 : index
    %swap3A_154 = tpu.vector_load %arg16[%swap3A_152, %swap3A_153] {strides = array<i32>} : memref<4x128xi32, #tpu.memory_space<vmem>>, vector<1x16xi32>,
    %swap3A_155 = vector.shape_cast %swap3A_154 : vector<1x16xi32> to vector<16xi32>
    %swap3A_156 = vector.shape_cast %add3A_150 : vector<16xi32> to vector<1x16xi32>
    tpu.vector_store %arg16[%swap3A_152, %swap3A_153], %swap3A_156 {strides = array<i32>} : memref<4x128xi32, #tpu.memory_space<vmem>>, vector<1x16xi32>,
    %broadcast_in_dim3A_157 = arith.constant 1 : i32
    %broadcast_in_dim3A_158 = vector.broadcast %broadcast_in_dim3A_157 : i32 to vector<16xi32>
    %lt3A_159 = arith.constant 0 : i32
    %lt3A_160 = vector.broadcast %lt3A_159 : i32 to vector<16xi32>
    %lt3A_161 = arith.cmpi slt, %broadcast_in_dim3A_158, %lt3A_160 : vector<16xi32>
    %add3A_162 = arith.constant 16 : i32
    %add3A_163 = vector.broadcast %add3A_162 : i32 to vector<16xi32>
    %add3A_164 = arith.addi %broadcast_in_dim3A_158, %add3A_163 : vector<16xi32>
    %select_n3A_165 = arith.select %lt3A_161, %add3A_164, %broadcast_in_dim3A_158 : vector<16xi1>, vector<16xi32>
    %broadcast_in_dim3A_166 = vector.shape_cast %select_n3A_165 : vector<16xi32> to vector<16x1xi32>
    %gather3A_167 = vector.shape_cast %broadcast_in_dim3A_166 : vector<16x1xi32> to vector<16xi32>
    %gather3A_168 = tpu.dynamic_gather %add3A_41[%gather3A_167] in [0] : vector<16xi32>, vector<16xi32> -> vector<16xi32>
    %lt3A_169 = arith.constant 0 : i32
    %lt3A_170 = vector.broadcast %lt3A_169 : i32 to vector<16xi32>
    %lt3A_171 = arith.cmpi slt, %broadcast_in_dim3A_158, %lt3A_170 : vector<16xi32>
    %add3A_172 = arith.constant 16 : i32
    %add3A_173 = vector.broadcast %add3A_172 : i32 to vector<16xi32>
    %add3A_174 = arith.addi %broadcast_in_dim3A_158, %add3A_173 : vector<16xi32>
    %select_n3A_175 = arith.select %lt3A_171, %add3A_174, %broadcast_in_dim3A_158 : vector<16xi1>, vector<16xi32>
    %broadcast_in_dim3A_176 = vector.shape_cast %select_n3A_175 : vector<16xi32> to vector<16x1xi32>
    %gather3A_177 = vector.shape_cast %broadcast_in_dim3A_176 : vector<16x1xi32> to vector<16xi32>
    %gather3A_178 = tpu.dynamic_gather %add3A_59[%gather3A_177] in [0] : vector<16xi32>, vector<16xi32> -> vector<16xi32>
    %get3A_179 = arith.constant 0 : index
    %get3A_180 = tpu.vector_load %arg13[%get3A_179] {strides = array<i32>} : memref<64xi32, #tpu.memory_space<vmem>>, vector<16xi32>,
    %get3A_181 = vector.shape_cast %get3A_180 : vector<16xi32> to vector<16xi32>
    %get3A_182 = arith.constant 0 : index
    %get3A_183 = tpu.vector_load %arg14[%get3A_182] {strides = array<i32>} : memref<64xi32, #tpu.memory_space<vmem>>, vector<16xi32>,
    %get3A_184 = vector.shape_cast %get3A_183 : vector<16xi32> to vector<16xi32>
    %add3A_185 = arith.addi %gather3A_168, %get3A_181 : vector<16xi32>
    %swap3A_186 = arith.constant 0 : i32
    %swap3A_187 = arith.index_cast %swap3A_186 : i32 to index
    %swap3A_188 = arith.constant 64 : index
    %swap3A_189 = tpu.vector_load %arg15[%swap3A_187, %swap3A_188] {strides = array<i32>} : memref<4x128xi32, #tpu.memory_space<vmem>>, vector<1x16xi32>,
    %swap3A_190 = vector.shape_cast %swap3A_189 : vector<1x16xi32> to vector<16xi32>
    %swap3A_191 = vector.shape_cast %add3A_185 : vector<16xi32> to vector<1x16xi32>
    tpu.vector_store %arg15[%swap3A_187, %swap3A_188], %swap3A_191 {strides = array<i32>} : memref<4x128xi32, #tpu.memory_space<vmem>>, vector<1x16xi32>,
    %add3A_192 = arith.addi %gather3A_178, %get3A_184 : vector<16xi32>
    %swap3A_193 = arith.constant 0 : i32
    %swap3A_194 = arith.index_cast %swap3A_193 : i32 to index
    %swap3A_195 = arith.constant 64 : index
    %swap3A_196 = tpu.vector_load %arg16[%swap3A_194, %swap3A_195] {strides = array<i32>} : memref<4x128xi32, #tpu.memory_space<vmem>>, vector<1x16xi32>,
    %swap3A_197 = vector.shape_cast %swap3A_196 : vector<1x16xi32> to vector<16xi32>
    %swap3A_198 = vector.shape_cast %add3A_192 : vector<16xi32> to vector<1x16xi32>
    tpu.vector_store %arg16[%swap3A_194, %swap3A_195], %swap3A_198 {strides = array<i32>} : memref<4x128xi32, #tpu.memory_space<vmem>>, vector<1x16xi32>,
    %get3A_199 = arith.constant 16 : index
    %get3A_200 = tpu.vector_load %arg13[%get3A_199] {strides = array<i32>} : memref<64xi32, #tpu.memory_space<vmem>>, vector<16xi32>,
    %get3A_201 = vector.shape_cast %get3A_200 : vector<16xi32> to vector<16xi32>
    %get3A_202 = arith.constant 16 : index
    %get3A_203 = tpu.vector_load %arg14[%get3A_202] {strides = array<i32>} : memref<64xi32, #tpu.memory_space<vmem>>, vector<16xi32>,
    %get3A_204 = vector.shape_cast %get3A_203 : vector<16xi32> to vector<16xi32>
    %add3A_205 = arith.addi %gather3A_168, %get3A_201 : vector<16xi32>
    %swap3A_206 = arith.constant 0 : i32
    %swap3A_207 = arith.index_cast %swap3A_206 : i32 to index
    %swap3A_208 = arith.constant 80 : index
    %swap3A_209 = tpu.vector_load %arg15[%swap3A_207, %swap3A_208] {strides = array<i32>} : memref<4x128xi32, #tpu.memory_space<vmem>>, vector<1x16xi32>,
    %swap3A_210 = vector.shape_cast %swap3A_209 : vector<1x16xi32> to vector<16xi32>
    %swap3A_211 = vector.shape_cast %add3A_205 : vector<16xi32> to vector<1x16xi32>
    tpu.vector_store %arg15[%swap3A_207, %swap3A_208], %swap3A_211 {strides = array<i32>} : memref<4x128xi32, #tpu.memory_space<vmem>>, vector<1x16xi32>,
    %add3A_212 = arith.addi %gather3A_178, %get3A_204 : vector<16xi32>
    %swap3A_213 = arith.constant 0 : i32
    %swap3A_214 = arith.index_cast %swap3A_213 : i32 to index
    %swap3A_215 = arith.constant 80 : index
    %swap3A_216 = tpu.vector_load %arg16[%swap3A_214, %swap3A_215] {strides = array<i32>} : memref<4x128xi32, #tpu.memory_space<vmem>>, vector<1x16xi32>,
    %swap3A_217 = vector.shape_cast %swap3A_216 : vector<1x16xi32> to vector<16xi32>
    %swap3A_218 = vector.shape_cast %add3A_212 : vector<16xi32> to vector<1x16xi32>
    tpu.vector_store %arg16[%swap3A_214, %swap3A_215], %swap3A_218 {strides = array<i32>} : memref<4x128xi32, #tpu.memory_space<vmem>>, vector<1x16xi32>,
    %get3A_219 = arith.constant 32 : index
    %get3A_220 = tpu.vector_load %arg13[%get3A_219] {strides = array<i32>} : memref<64xi32, #tpu.memory_space<vmem>>, vector<16xi32>,
    %get3A_221 = vector.shape_cast %get3A_220 : vector<16xi32> to vector<16xi32>
    %get3A_222 = arith.constant 32 : index
    %get3A_223 = tpu.vector_load %arg14[%get3A_222] {strides = array<i32>} : memref<64xi32, #tpu.memory_space<vmem>>, vector<16xi32>,
    %get3A_224 = vector.shape_cast %get3A_223 : vector<16xi32> to vector<16xi32>
    %add3A_225 = arith.addi %gather3A_168, %get3A_221 : vector<16xi32>
    %swap3A_226 = arith.constant 0 : i32
    %swap3A_227 = arith.index_cast %swap3A_226 : i32 to index
    %swap3A_228 = arith.constant 96 : index
    %swap3A_229 = tpu.vector_load %arg15[%swap3A_227, %swap3A_228] {strides = array<i32>} : memref<4x128xi32, #tpu.memory_space<vmem>>, vector<1x16xi32>,
    %swap3A_230 = vector.shape_cast %swap3A_229 : vector<1x16xi32> to vector<16xi32>
    %swap3A_231 = vector.shape_cast %add3A_225 : vector<16xi32> to vector<1x16xi32>
    tpu.vector_store %arg15[%swap3A_227, %swap3A_228], %swap3A_231 {strides = array<i32>} : memref<4x128xi32, #tpu.memory_space<vmem>>, vector<1x16xi32>,
    %add3A_232 = arith.addi %gather3A_178, %get3A_224 : vector<16xi32>
    %swap3A_233 = arith.constant 0 : i32
    %swap3A_234 = arith.index_cast %swap3A_233 : i32 to index
    %swap3A_235 = arith.constant 96 : index
    %swap3A_236 = tpu.vector_load %arg16[%swap3A_234, %swap3A_235] {strides = array<i32>} : memref<4x128xi32, #tpu.memory_space<vmem>>, vector<1x16xi32>,
    %swap3A_237 = vector.shape_cast %swap3A_236 : vector<1x16xi32> to vector<16xi32>
    %swap3A_238 = vector.shape_cast %add3A_232 : vector<16xi32> to vector<1x16xi32>
    tpu.vector_store %arg16[%swap3A_234, %swap3A_235], %swap3A_238 {strides = array<i32>} : memref<4x128xi32, #tpu.memory_space<vmem>>, vector<1x16xi32>,
    %get3A_239 = arith.constant 48 : index
    %get3A_240 = tpu.vector_load %arg13[%get3A_239] {strides = array<i32>} : memref<64xi32, #tpu.memory_space<vmem>>, vector<16xi32>,
    %get3A_241 = vector.shape_cast %get3A_240 : vector<16xi32> to vector<16xi32>
    %get3A_242 = arith.constant 48 : index
    %get3A_243 = tpu.vector_load %arg14[%get3A_242] {strides = array<i32>} : memref<64xi32, #tpu.memory_space<vmem>>, vector<16xi32>,
    %get3A_244 = vector.shape_cast %get3A_243 : vector<16xi32> to vector<16xi32>
    %add3A_245 = arith.addi %gather3A_168, %get3A_241 : vector<16xi32>
    %swap3A_246 = arith.constant 0 : i32
    %swap3A_247 = arith.index_cast %swap3A_246 : i32 to index
    %swap3A_248 = arith.constant 112 : index
    %swap3A_249 = tpu.vector_load %arg15[%swap3A_247, %swap3A_248] {strides = array<i32>} : memref<4x128xi32, #tpu.memory_space<vmem>>, vector<1x16xi32>,
    %swap3A_250 = vector.shape_cast %swap3A_249 : vector<1x16xi32> to vector<16xi32>
    %swap3A_251 = vector.shape_cast %add3A_245 : vector<16xi32> to vector<1x16xi32>
    tpu.vector_store %arg15[%swap3A_247, %swap3A_248], %swap3A_251 {strides = array<i32>} : memref<4x128xi32, #tpu.memory_space<vmem>>, vector<1x16xi32>,
    %add3A_252 = arith.addi %gather3A_178, %get3A_244 : vector<16xi32>
    %swap3A_253 = arith.constant 0 : i32
    %swap3A_254 = arith.index_cast %swap3A_253 : i32 to index
    %swap3A_255 = arith.constant 112 : index
    %swap3A_256 = tpu.vector_load %arg16[%swap3A_254, %swap3A_255] {strides = array<i32>} : memref<4x128xi32, #tpu.memory_space<vmem>>, vector<1x16xi32>,
    %swap3A_257 = vector.shape_cast %swap3A_256 : vector<1x16xi32> to vector<16xi32>
    %swap3A_258 = vector.shape_cast %add3A_252 : vector<16xi32> to vector<1x16xi32>
    tpu.vector_store %arg16[%swap3A_254, %swap3A_255], %swap3A_258 {strides = array<i32>} : memref<4x128xi32, #tpu.memory_space<vmem>>, vector<1x16xi32>,
    %broadcast_in_dim3A_259 = arith.constant 2 : i32
    %broadcast_in_dim3A_260 = vector.broadcast %broadcast_in_dim3A_259 : i32 to vector<16xi32>
    %lt3A_261 = arith.constant 0 : i32
    %lt3A_262 = vector.broadcast %lt3A_261 : i32 to vector<16xi32>
    %lt3A_263 = arith.cmpi slt, %broadcast_in_dim3A_260, %lt3A_262 : vector<16xi32>
    %add3A_264 = arith.constant 16 : i32
    %add3A_265 = vector.broadcast %add3A_264 : i32 to vector<16xi32>
    %add3A_266 = arith.addi %broadcast_in_dim3A_260, %add3A_265 : vector<16xi32>
    %select_n3A_267 = arith.select %lt3A_263, %add3A_266, %broadcast_in_dim3A_260 : vector<16xi1>, vector<16xi32>
    %broadcast_in_dim3A_268 = vector.shape_cast %select_n3A_267 : vector<16xi32> to vector<16x1xi32>
    %gather3A_269 = vector.shape_cast %broadcast_in_dim3A_268 : vector<16x1xi32> to vector<16xi32>
    %gather3A_270 = tpu.dynamic_gather %add3A_41[%gather3A_269] in [0] : vector<16xi32>, vector<16xi32> -> vector<16xi32>
    %lt3A_271 = arith.constant 0 : i32
    %lt3A_272 = vector.broadcast %lt3A_271 : i32 to vector<16xi32>
    %lt3A_273 = arith.cmpi slt, %broadcast_in_dim3A_260, %lt3A_272 : vector<16xi32>
    %add3A_274 = arith.constant 16 : i32
    %add3A_275 = vector.broadcast %add3A_274 : i32 to vector<16xi32>
    %add3A_276 = arith.addi %broadcast_in_dim3A_260, %add3A_275 : vector<16xi32>
    %select_n3A_277 = arith.select %lt3A_273, %add3A_276, %broadcast_in_dim3A_260 : vector<16xi1>, vector<16xi32>
    %broadcast_in_dim3A_278 = vector.shape_cast %select_n3A_277 : vector<16xi32> to vector<16x1xi32>
    %gather3A_279 = vector.shape_cast %broadcast_in_dim3A_278 : vector<16x1xi32> to vector<16xi32>
    %gather3A_280 = tpu.dynamic_gather %add3A_59[%gather3A_279] in [0] : vector<16xi32>, vector<16xi32> -> vector<16xi32>
    %get3A_281 = arith.constant 0 : index
    %get3A_282 = tpu.vector_load %arg13[%get3A_281] {strides = array<i32>} : memref<64xi32, #tpu.memory_space<vmem>>, vector<16xi32>,
    %get3A_283 = vector.shape_cast %get3A_282 : vector<16xi32> to vector<16xi32>
    %get3A_284 = arith.constant 0 : index
    %get3A_285 = tpu.vector_load %arg14[%get3A_284] {strides = array<i32>} : memref<64xi32, #tpu.memory_space<vmem>>, vector<16xi32>,
    %get3A_286 = vector.shape_cast %get3A_285 : vector<16xi32> to vector<16xi32>
    %add3A_287 = arith.addi %gather3A_270, %get3A_283 : vector<16xi32>
    %swap3A_288 = arith.constant 1 : i32
    %swap3A_289 = arith.index_cast %swap3A_288 : i32 to index
    %swap3A_290 = arith.constant 0 : index
    %swap3A_291 = tpu.vector_load %arg15[%swap3A_289, %swap3A_290] {strides = array<i32>} : memref<4x128xi32, #tpu.memory_space<vmem>>, vector<1x16xi32>,
    %swap3A_292 = vector.shape_cast %swap3A_291 : vector<1x16xi32> to vector<16xi32>
    %swap3A_293 = vector.shape_cast %add3A_287 : vector<16xi32> to vector<1x16xi32>
    tpu.vector_store %arg15[%swap3A_289, %swap3A_290], %swap3A_293 {strides = array<i32>} : memref<4x128xi32, #tpu.memory_space<vmem>>, vector<1x16xi32>,
    %add3A_294 = arith.addi %gather3A_280, %get3A_286 : vector<16xi32>
    %swap3A_295 = arith.constant 1 : i32
    %swap3A_296 = arith.index_cast %swap3A_295 : i32 to index
    %swap3A_297 = arith.constant 0 : index
    %swap3A_298 = tpu.vector_load %arg16[%swap3A_296, %swap3A_297] {strides = array<i32>} : memref<4x128xi32, #tpu.memory_space<vmem>>, vector<1x16xi32>,
    %swap3A_299 = vector.shape_cast %swap3A_298 : vector<1x16xi32> to vector<16xi32>
    %swap3A_300 = vector.shape_cast %add3A_294 : vector<16xi32> to vector<1x16xi32>
    tpu.vector_store %arg16[%swap3A_296, %swap3A_297], %swap3A_300 {strides = array<i32>} : memref<4x128xi32, #tpu.memory_space<vmem>>, vector<1x16xi32>,
    %get3A_301 = arith.constant 16 : index
    %get3A_302 = tpu.vector_load %arg13[%get3A_301] {strides = array<i32>} : memref<64xi32, #tpu.memory_space<vmem>>, vector<16xi32>,
    %get3A_303 = vector.shape_cast %get3A_302 : vector<16xi32> to vector<16xi32>
    %get3A_304 = arith.constant 16 : index
    %get3A_305 = tpu.vector_load %arg14[%get3A_304] {strides = array<i32>} : memref<64xi32, #tpu.memory_space<vmem>>, vector<16xi32>,
    %get3A_306 = vector.shape_cast %get3A_305 : vector<16xi32> to vector<16xi32>
    %add3A_307 = arith.addi %gather3A_270, %get3A_303 : vector<16xi32>
    %swap3A_308 = arith.constant 1 : i32
    %swap3A_309 = arith.index_cast %swap3A_308 : i32 to index
    %swap3A_310 = arith.constant 16 : index
    %swap3A_311 = tpu.vector_load %arg15[%swap3A_309, %swap3A_310] {strides = array<i32>} : memref<4x128xi32, #tpu.memory_space<vmem>>, vector<1x16xi32>,
    %swap3A_312 = vector.shape_cast %swap3A_311 : vector<1x16xi32> to vector<16xi32>
    %swap3A_313 = vector.shape_cast %add3A_307 : vector<16xi32> to vector<1x16xi32>
    tpu.vector_store %arg15[%swap3A_309, %swap3A_310], %swap3A_313 {strides = array<i32>} : memref<4x128xi32, #tpu.memory_space<vmem>>, vector<1x16xi32>,
    %add3A_314 = arith.addi %gather3A_280, %get3A_306 : vector<16xi32>
    %swap3A_315 = arith.constant 1 : i32
    %swap3A_316 = arith.index_cast %swap3A_315 : i32 to index
    %swap3A_317 = arith.constant 16 : index
    %swap3A_318 = tpu.vector_load %arg16[%swap3A_316, %swap3A_317] {strides = array<i32>} : memref<4x128xi32, #tpu.memory_space<vmem>>, vector<1x16xi32>,
    %swap3A_319 = vector.shape_cast %swap3A_318 : vector<1x16xi32> to vector<16xi32>
    %swap3A_320 = vector.shape_cast %add3A_314 : vector<16xi32> to vector<1x16xi32>
    tpu.vector_store %arg16[%swap3A_316, %swap3A_317], %swap3A_320 {strides = array<i32>} : memref<4x128xi32, #tpu.memory_space<vmem>>, vector<1x16xi32>,
    %get3A_321 = arith.constant 32 : index
    %get3A_322 = tpu.vector_load %arg13[%get3A_321] {strides = array<i32>} : memref<64xi32, #tpu.memory_space<vmem>>, vector<16xi32>,
    %get3A_323 = vector.shape_cast %get3A_322 : vector<16xi32> to vector<16xi32>
    %get3A_324 = arith.constant 32 : index
    %get3A_325 = tpu.vector_load %arg14[%get3A_324] {strides = array<i32>} : memref<64xi32, #tpu.memory_space<vmem>>, vector<16xi32>,
    %get3A_326 = vector.shape_cast %get3A_325 : vector<16xi32> to vector<16xi32>
    %add3A_327 = arith.addi %gather3A_270, %get3A_323 : vector<16xi32>
    %swap3A_328 = arith.constant 1 : i32
    %swap3A_329 = arith.index_cast %swap3A_328 : i32 to index
    %swap3A_330 = arith.constant 32 : index
    %swap3A_331 = tpu.vector_load %arg15[%swap3A_329, %swap3A_330] {strides = array<i32>} : memref<4x128xi32, #tpu.memory_space<vmem>>, vector<1x16xi32>,
    %swap3A_332 = vector.shape_cast %swap3A_331 : vector<1x16xi32> to vector<16xi32>
    %swap3A_333 = vector.shape_cast %add3A_327 : vector<16xi32> to vector<1x16xi32>
    tpu.vector_store %arg15[%swap3A_329, %swap3A_330], %swap3A_333 {strides = array<i32>} : memref<4x128xi32, #tpu.memory_space<vmem>>, vector<1x16xi32>,
    %add3A_334 = arith.addi %gather3A_280, %get3A_326 : vector<16xi32>
    %swap3A_335 = arith.constant 1 : i32
    %swap3A_336 = arith.index_cast %swap3A_335 : i32 to index
    %swap3A_337 = arith.constant 32 : index
    %swap3A_338 = tpu.vector_load %arg16[%swap3A_336, %swap3A_337] {strides = array<i32>} : memref<4x128xi32, #tpu.memory_space<vmem>>, vector<1x16xi32>,
    %swap3A_339 = vector.shape_cast %swap3A_338 : vector<1x16xi32> to vector<16xi32>
    %swap3A_340 = vector.shape_cast %add3A_334 : vector<16xi32> to vector<1x16xi32>
    tpu.vector_store %arg16[%swap3A_336, %swap3A_337], %swap3A_340 {strides = array<i32>} : memref<4x128xi32, #tpu.memory_space<vmem>>, vector<1x16xi32>,
    %get3A_341 = arith.constant 48 : index
    %get3A_342 = tpu.vector_load %arg13[%get3A_341] {strides = array<i32>} : memref<64xi32, #tpu.memory_space<vmem>>, vector<16xi32>,
    %get3A_343 = vector.shape_cast %get3A_342 : vector<16xi32> to vector<16xi32>
    %get3A_344 = arith.constant 48 : index
    %get3A_345 = tpu.vector_load %arg14[%get3A_344] {strides = array<i32>} : memref<64xi32, #tpu.memory_space<vmem>>, vector<16xi32>,
    %get3A_346 = vector.shape_cast %get3A_345 : vector<16xi32> to vector<16xi32>
    %add3A_347 = arith.addi %gather3A_270, %get3A_343 : vector<16xi32>
    %swap3A_348 = arith.constant 1 : i32
    %swap3A_349 = arith.index_cast %swap3A_348 : i32 to index
    %swap3A_350 = arith.constant 48 : index
    %swap3A_351 = tpu.vector_load %arg15[%swap3A_349, %swap3A_350] {strides = array<i32>} : memref<4x128xi32, #tpu.memory_space<vmem>>, vector<1x16xi32>,
    %swap3A_352 = vector.shape_cast %swap3A_351 : vector<1x16xi32> to vector<16xi32>
    %swap3A_353 = vector.shape_cast %add3A_347 : vector<16xi32> to vector<1x16xi32>
    tpu.vector_store %arg15[%swap3A_349, %swap3A_350], %swap3A_353 {strides = array<i32>} : memref<4x128xi32, #tpu.memory_space<vmem>>, vector<1x16xi32>,
    %add3A_354 = arith.addi %gather3A_280, %get3A_346 : vector<16xi32>
    %swap3A_355 = arith.constant 1 : i32
    %swap3A_356 = arith.index_cast %swap3A_355 : i32 to index
    %swap3A_357 = arith.constant 48 : index
    %swap3A_358 = tpu.vector_load %arg16[%swap3A_356, %swap3A_357] {strides = array<i32>} : memref<4x128xi32, #tpu.memory_space<vmem>>, vector<1x16xi32>,
    %swap3A_359 = vector.shape_cast %swap3A_358 : vector<1x16xi32> to vector<16xi32>
    %swap3A_360 = vector.shape_cast %add3A_354 : vector<16xi32> to vector<1x16xi32>
    tpu.vector_store %arg16[%swap3A_356, %swap3A_357], %swap3A_360 {strides = array<i32>} : memref<4x128xi32, #tpu.memory_space<vmem>>, vector<1x16xi32>,
    %broadcast_in_dim3A_361 = arith.constant 3 : i32
    %broadcast_in_dim3A_362 = vector.broadcast %broadcast_in_dim3A_361 : i32 to vector<16xi32>
    %lt3A_363 = arith.constant 0 : i32
    %lt3A_364 = vector.broadcast %lt3A_363 : i32 to vector<16xi32>
    %lt3A_365 = arith.cmpi slt, %broadcast_in_dim3A_362, %lt3A_364 : vector<16xi32>
    %add3A_366 = arith.constant 16 : i32
    %add3A_367 = vector.broadcast %add3A_366 : i32 to vector<16xi32>
    %add3A_368 = arith.addi %broadcast_in_dim3A_362, %add3A_367 : vector<16xi32>
    %select_n3A_369 = arith.select %lt3A_365, %add3A_368, %broadcast_in_dim3A_362 : vector<16xi1>, vector<16xi32>
    %broadcast_in_dim3A_370 = vector.shape_cast %select_n3A_369 : vector<16xi32> to vector<16x1xi32>
    %gather3A_371 = vector.shape_cast %broadcast_in_dim3A_370 : vector<16x1xi32> to vector<16xi32>
    %gather3A_372 = tpu.dynamic_gather %add3A_41[%gather3A_371] in [0] : vector<16xi32>, vector<16xi32> -> vector<16xi32>
    %lt3A_373 = arith.constant 0 : i32
    %lt3A_374 = vector.broadcast %lt3A_373 : i32 to vector<16xi32>
    %lt3A_375 = arith.cmpi slt, %broadcast_in_dim3A_362, %lt3A_374 : vector<16xi32>
    %add3A_376 = arith.constant 16 : i32
    %add3A_377 = vector.broadcast %add3A_376 : i32 to vector<16xi32>
    %add3A_378 = arith.addi %broadcast_in_dim3A_362, %add3A_377 : vector<16xi32>
    %select_n3A_379 = arith.select %lt3A_375, %add3A_378, %broadcast_in_dim3A_362 : vector<16xi1>, vector<16xi32>
    %broadcast_in_dim3A_380 = vector.shape_cast %select_n3A_379 : vector<16xi32> to vector<16x1xi32>
    %gather3A_381 = vector.shape_cast %broadcast_in_dim3A_380 : vector<16x1xi32> to vector<16xi32>
    %gather3A_382 = tpu.dynamic_gather %add3A_59[%gather3A_381] in [0] : vector<16xi32>, vector<16xi32> -> vector<16xi32>
    %get3A_383 = arith.constant 0 : index
    %get3A_384 = tpu.vector_load %arg13[%get3A_383] {strides = array<i32>} : memref<64xi32, #tpu.memory_space<vmem>>, vector<16xi32>,
    %get3A_385 = vector.shape_cast %get3A_384 : vector<16xi32> to vector<16xi32>
    %get3A_386 = arith.constant 0 : index
    %get3A_387 = tpu.vector_load %arg14[%get3A_386] {strides = array<i32>} : memref<64xi32, #tpu.memory_space<vmem>>, vector<16xi32>,
    %get3A_388 = vector.shape_cast %get3A_387 : vector<16xi32> to vector<16xi32>
    %add3A_389 = arith.addi %gather3A_372, %get3A_385 : vector<16xi32>
    %swap3A_390 = arith.constant 1 : i32
    %swap3A_391 = arith.index_cast %swap3A_390 : i32 to index
    %swap3A_392 = arith.constant 64 : index
    %swap3A_393 = tpu.vector_load %arg15[%swap3A_391, %swap3A_392] {strides = array<i32>} : memref<4x128xi32, #tpu.memory_space<vmem>>, vector<1x16xi32>,
    %swap3A_394 = vector.shape_cast %swap3A_393 : vector<1x16xi32> to vector<16xi32>
    %swap3A_395 = vector.shape_cast %add3A_389 : vector<16xi32> to vector<1x16xi32>
    tpu.vector_store %arg15[%swap3A_391, %swap3A_392], %swap3A_395 {strides = array<i32>} : memref<4x128xi32, #tpu.memory_space<vmem>>, vector<1x16xi32>,
    %add3A_396 = arith.addi %gather3A_382, %get3A_388 : vector<16xi32>
    %swap3A_397 = arith.constant 1 : i32
    %swap3A_398 = arith.index_cast %swap3A_397 : i32 to index
    %swap3A_399 = arith.constant 64 : index
    %swap3A_400 = tpu.vector_load %arg16[%swap3A_398, %swap3A_399] {strides = array<i32>} : memref<4x128xi32, #tpu.memory_space<vmem>>, vector<1x16xi32>,
    %swap3A_401 = vector.shape_cast %swap3A_400 : vector<1x16xi32> to vector<16xi32>
    %swap3A_402 = vector.shape_cast %add3A_396 : vector<16xi32> to vector<1x16xi32>
    tpu.vector_store %arg16[%swap3A_398, %swap3A_399], %swap3A_402 {strides = array<i32>} : memref<4x128xi32, #tpu.memory_space<vmem>>, vector<1x16xi32>,
    %get3A_403 = arith.constant 16 : index
    %get3A_404 = tpu.vector_load %arg13[%get3A_403] {strides = array<i32>} : memref<64xi32, #tpu.memory_space<vmem>>, vector<16xi32>,
    %get3A_405 = vector.shape_cast %get3A_404 : vector<16xi32> to vector<16xi32>
    %get3A_406 = arith.constant 16 : index
    %get3A_407 = tpu.vector_load %arg14[%get3A_406] {strides = array<i32>} : memref<64xi32, #tpu.memory_space<vmem>>, vector<16xi32>,
    %get3A_408 = vector.shape_cast %get3A_407 : vector<16xi32> to vector<16xi32>
    %add3A_409 = arith.addi %gather3A_372, %get3A_405 : vector<16xi32>
    %swap3A_410 = arith.constant 1 : i32
    %swap3A_411 = arith.index_cast %swap3A_410 : i32 to index
    %swap3A_412 = arith.constant 80 : index
    %swap3A_413 = tpu.vector_load %arg15[%swap3A_411, %swap3A_412] {strides = array<i32>} : memref<4x128xi32, #tpu.memory_space<vmem>>, vector<1x16xi32>,
    %swap3A_414 = vector.shape_cast %swap3A_413 : vector<1x16xi32> to vector<16xi32>
    %swap3A_415 = vector.shape_cast %add3A_409 : vector<16xi32> to vector<1x16xi32>
    tpu.vector_store %arg15[%swap3A_411, %swap3A_412], %swap3A_415 {strides = array<i32>} : memref<4x128xi32, #tpu.memory_space<vmem>>, vector<1x16xi32>,
    %add3A_416 = arith.addi %gather3A_382, %get3A_408 : vector<16xi32>
    %swap3A_417 = arith.constant 1 : i32
    %swap3A_418 = arith.index_cast %swap3A_417 : i32 to index
    %swap3A_419 = arith.constant 80 : index
    %swap3A_420 = tpu.vector_load %arg16[%swap3A_418, %swap3A_419] {strides = array<i32>} : memref<4x128xi32, #tpu.memory_space<vmem>>, vector<1x16xi32>,
    %swap3A_421 = vector.shape_cast %swap3A_420 : vector<1x16xi32> to vector<16xi32>
    %swap3A_422 = vector.shape_cast %add3A_416 : vector<16xi32> to vector<1x16xi32>
    tpu.vector_store %arg16[%swap3A_418, %swap3A_419], %swap3A_422 {strides = array<i32>} : memref<4x128xi32, #tpu.memory_space<vmem>>, vector<1x16xi32>,
    %get3A_423 = arith.constant 32 : index
    %get3A_424 = tpu.vector_load %arg13[%get3A_423] {strides = array<i32>} : memref<64xi32, #tpu.memory_space<vmem>>, vector<16xi32>,
    %get3A_425 = vector.shape_cast %get3A_424 : vector<16xi32> to vector<16xi32>
    %get3A_426 = arith.constant 32 : index
    %get3A_427 = tpu.vector_load %arg14[%get3A_426] {strides = array<i32>} : memref<64xi32, #tpu.memory_space<vmem>>, vector<16xi32>,
    %get3A_428 = vector.shape_cast %get3A_427 : vector<16xi32> to vector<16xi32>
    %add3A_429 = arith.addi %gather3A_372, %get3A_425 : vector<16xi32>
    %swap3A_430 = arith.constant 1 : i32
    %swap3A_431 = arith.index_cast %swap3A_430 : i32 to index
    %swap3A_432 = arith.constant 96 : index
    %swap3A_433 = tpu.vector_load %arg15[%swap3A_431, %swap3A_432] {strides = array<i32>} : memref<4x128xi32, #tpu.memory_space<vmem>>, vector<1x16xi32>,
    %swap3A_434 = vector.shape_cast %swap3A_433 : vector<1x16xi32> to vector<16xi32>
    %swap3A_435 = vector.shape_cast %add3A_429 : vector<16xi32> to vector<1x16xi32>
    tpu.vector_store %arg15[%swap3A_431, %swap3A_432], %swap3A_435 {strides = array<i32>} : memref<4x128xi32, #tpu.memory_space<vmem>>, vector<1x16xi32>,
    %add3A_436 = arith.addi %gather3A_382, %get3A_428 : vector<16xi32>
    %swap3A_437 = arith.constant 1 : i32
    %swap3A_438 = arith.index_cast %swap3A_437 : i32 to index
    %swap3A_439 = arith.constant 96 : index
    %swap3A_440 = tpu.vector_load %arg16[%swap3A_438, %swap3A_439] {strides = array<i32>} : memref<4x128xi32, #tpu.memory_space<vmem>>, vector<1x16xi32>,
    %swap3A_441 = vector.shape_cast %swap3A_440 : vector<1x16xi32> to vector<16xi32>
    %swap3A_442 = vector.shape_cast %add3A_436 : vector<16xi32> to vector<1x16xi32>
    tpu.vector_store %arg16[%swap3A_438, %swap3A_439], %swap3A_442 {strides = array<i32>} : memref<4x128xi32, #tpu.memory_space<vmem>>, vector<1x16xi32>,
    %get3A_443 = arith.constant 48 : index
    %get3A_444 = tpu.vector_load %arg13[%get3A_443] {strides = array<i32>} : memref<64xi32, #tpu.memory_space<vmem>>, vector<16xi32>,
    %get3A_445 = vector.shape_cast %get3A_444 : vector<16xi32> to vector<16xi32>
    %get3A_446 = arith.constant 48 : index
    %get3A_447 = tpu.vector_load %arg14[%get3A_446] {strides = array<i32>} : memref<64xi32, #tpu.memory_space<vmem>>, vector<16xi32>,
    %get3A_448 = vector.shape_cast %get3A_447 : vector<16xi32> to vector<16xi32>
    %add3A_449 = arith.addi %gather3A_372, %get3A_445 : vector<16xi32>
    %swap3A_450 = arith.constant 1 : i32
    %swap3A_451 = arith.index_cast %swap3A_450 : i32 to index
    %swap3A_452 = arith.constant 112 : index
    %swap3A_453 = tpu.vector_load %arg15[%swap3A_451, %swap3A_452] {strides = array<i32>} : memref<4x128xi32, #tpu.memory_space<vmem>>, vector<1x16xi32>,
    %swap3A_454 = vector.shape_cast %swap3A_453 : vector<1x16xi32> to vector<16xi32>
    %swap3A_455 = vector.shape_cast %add3A_449 : vector<16xi32> to vector<1x16xi32>
    tpu.vector_store %arg15[%swap3A_451, %swap3A_452], %swap3A_455 {strides = array<i32>} : memref<4x128xi32, #tpu.memory_space<vmem>>, vector<1x16xi32>,
    %add3A_456 = arith.addi %gather3A_382, %get3A_448 : vector<16xi32>
    %swap3A_457 = arith.constant 1 : i32
    %swap3A_458 = arith.index_cast %swap3A_457 : i32 to index
    %swap3A_459 = arith.constant 112 : index
    %swap3A_460 = tpu.vector_load %arg16[%swap3A_458, %swap3A_459] {strides = array<i32>} : memref<4x128xi32, #tpu.memory_space<vmem>>, vector<1x16xi32>,
    %swap3A_461 = vector.shape_cast %swap3A_460 : vector<1x16xi32> to vector<16xi32>
    %swap3A_462 = vector.shape_cast %add3A_456 : vector<16xi32> to vector<1x16xi32>
    tpu.vector_store %arg16[%swap3A_458, %swap3A_459], %swap3A_462 {strides = array<i32>} : memref<4x128xi32, #tpu.memory_space<vmem>>, vector<1x16xi32>,
    %broadcast_in_dim3A_463 = arith.constant 4 : i32
    %broadcast_in_dim3A_464 = vector.broadcast %broadcast_in_dim3A_463 : i32 to vector<16xi32>
    %lt3A_465 = arith.constant 0 : i32
    %lt3A_466 = vector.broadcast %lt3A_465 : i32 to vector<16xi32>
    %lt3A_467 = arith.cmpi slt, %broadcast_in_dim3A_464, %lt3A_466 : vector<16xi32>
    %add3A_468 = arith.constant 16 : i32
    %add3A_469 = vector.broadcast %add3A_468 : i32 to vector<16xi32>
    %add3A_470 = arith.addi %broadcast_in_dim3A_464, %add3A_469 : vector<16xi32>
    %select_n3A_471 = arith.select %lt3A_467, %add3A_470, %broadcast_in_dim3A_464 : vector<16xi1>, vector<16xi32>
    %broadcast_in_dim3A_472 = vector.shape_cast %select_n3A_471 : vector<16xi32> to vector<16x1xi32>
    %gather3A_473 = vector.shape_cast %broadcast_in_dim3A_472 : vector<16x1xi32> to vector<16xi32>
    %gather3A_474 = tpu.dynamic_gather %add3A_41[%gather3A_473] in [0] : vector<16xi32>, vector<16xi32> -> vector<16xi32>
    %lt3A_475 = arith.constant 0 : i32
    %lt3A_476 = vector.broadcast %lt3A_475 : i32 to vector<16xi32>
    %lt3A_477 = arith.cmpi slt, %broadcast_in_dim3A_464, %lt3A_476 : vector<16xi32>
    %add3A_478 = arith.constant 16 : i32
    %add3A_479 = vector.broadcast %add3A_478 : i32 to vector<16xi32>
    %add3A_480 = arith.addi %broadcast_in_dim3A_464, %add3A_479 : vector<16xi32>
    %select_n3A_481 = arith.select %lt3A_477, %add3A_480, %broadcast_in_dim3A_464 : vector<16xi1>, vector<16xi32>
    %broadcast_in_dim3A_482 = vector.shape_cast %select_n3A_481 : vector<16xi32> to vector<16x1xi32>
    %gather3A_483 = vector.shape_cast %broadcast_in_dim3A_482 : vector<16x1xi32> to vector<16xi32>
    %gather3A_484 = tpu.dynamic_gather %add3A_59[%gather3A_483] in [0] : vector<16xi32>, vector<16xi32> -> vector<16xi32>
    %get3A_485 = arith.constant 0 : index
    %get3A_486 = tpu.vector_load %arg13[%get3A_485] {strides = array<i32>} : memref<64xi32, #tpu.memory_space<vmem>>, vector<16xi32>,
    %get3A_487 = vector.shape_cast %get3A_486 : vector<16xi32> to vector<16xi32>
    %get3A_488 = arith.constant 0 : index
    %get3A_489 = tpu.vector_load %arg14[%get3A_488] {strides = array<i32>} : memref<64xi32, #tpu.memory_space<vmem>>, vector<16xi32>,
    %get3A_490 = vector.shape_cast %get3A_489 : vector<16xi32> to vector<16xi32>
    %add3A_491 = arith.addi %gather3A_474, %get3A_487 : vector<16xi32>
    %swap3A_492 = arith.constant 2 : i32
    %swap3A_493 = arith.index_cast %swap3A_492 : i32 to index
    %swap3A_494 = arith.constant 0 : index
    %swap3A_495 = tpu.vector_load %arg15[%swap3A_493, %swap3A_494] {strides = array<i32>} : memref<4x128xi32, #tpu.memory_space<vmem>>, vector<1x16xi32>,
    %swap3A_496 = vector.shape_cast %swap3A_495 : vector<1x16xi32> to vector<16xi32>
    %swap3A_497 = vector.shape_cast %add3A_491 : vector<16xi32> to vector<1x16xi32>
    tpu.vector_store %arg15[%swap3A_493, %swap3A_494], %swap3A_497 {strides = array<i32>} : memref<4x128xi32, #tpu.memory_space<vmem>>, vector<1x16xi32>,
    %add3A_498 = arith.addi %gather3A_484, %get3A_490 : vector<16xi32>
    %swap3A_499 = arith.constant 2 : i32
    %swap3A_500 = arith.index_cast %swap3A_499 : i32 to index
    %swap3A_501 = arith.constant 0 : index
    %swap3A_502 = tpu.vector_load %arg16[%swap3A_500, %swap3A_501] {strides = array<i32>} : memref<4x128xi32, #tpu.memory_space<vmem>>, vector<1x16xi32>,
    %swap3A_503 = vector.shape_cast %swap3A_502 : vector<1x16xi32> to vector<16xi32>
    %swap3A_504 = vector.shape_cast %add3A_498 : vector<16xi32> to vector<1x16xi32>
    tpu.vector_store %arg16[%swap3A_500, %swap3A_501], %swap3A_504 {strides = array<i32>} : memref<4x128xi32, #tpu.memory_space<vmem>>, vector<1x16xi32>,
    %get3A_505 = arith.constant 16 : index
    %get3A_506 = tpu.vector_load %arg13[%get3A_505] {strides = array<i32>} : memref<64xi32, #tpu.memory_space<vmem>>, vector<16xi32>,
    %get3A_507 = vector.shape_cast %get3A_506 : vector<16xi32> to vector<16xi32>
    %get3A_508 = arith.constant 16 : index
    %get3A_509 = tpu.vector_load %arg14[%get3A_508] {strides = array<i32>} : memref<64xi32, #tpu.memory_space<vmem>>, vector<16xi32>,
    %get3A_510 = vector.shape_cast %get3A_509 : vector<16xi32> to vector<16xi32>
    %add3A_511 = arith.addi %gather3A_474, %get3A_507 : vector<16xi32>
    %swap3A_512 = arith.constant 2 : i32
    %swap3A_513 = arith.index_cast %swap3A_512 : i32 to index
    %swap3A_514 = arith.constant 16 : index
    %swap3A_515 = tpu.vector_load %arg15[%swap3A_513, %swap3A_514] {strides = array<i32>} : memref<4x128xi32, #tpu.memory_space<vmem>>, vector<1x16xi32>,
    %swap3A_516 = vector.shape_cast %swap3A_515 : vector<1x16xi32> to vector<16xi32>
    %swap3A_517 = vector.shape_cast %add3A_511 : vector<16xi32> to vector<1x16xi32>
    tpu.vector_store %arg15[%swap3A_513, %swap3A_514], %swap3A_517 {strides = array<i32>} : memref<4x128xi32, #tpu.memory_space<vmem>>, vector<1x16xi32>,
    %add3A_518 = arith.addi %gather3A_484, %get3A_510 : vector<16xi32>
    %swap3A_519 = arith.constant 2 : i32
    %swap3A_520 = arith.index_cast %swap3A_519 : i32 to index
    %swap3A_521 = arith.constant 16 : index
    %swap3A_522 = tpu.vector_load %arg16[%swap3A_520, %swap3A_521] {strides = array<i32>} : memref<4x128xi32, #tpu.memory_space<vmem>>, vector<1x16xi32>,
    %swap3A_523 = vector.shape_cast %swap3A_522 : vector<1x16xi32> to vector<16xi32>
    %swap3A_524 = vector.shape_cast %add3A_518 : vector<16xi32> to vector<1x16xi32>
    tpu.vector_store %arg16[%swap3A_520, %swap3A_521], %swap3A_524 {strides = array<i32>} : memref<4x128xi32, #tpu.memory_space<vmem>>, vector<1x16xi32>,
    %get3A_525 = arith.constant 32 : index
    %get3A_526 = tpu.vector_load %arg13[%get3A_525] {strides = array<i32>} : memref<64xi32, #tpu.memory_space<vmem>>, vector<16xi32>,
    %get3A_527 = vector.shape_cast %get3A_526 : vector<16xi32> to vector<16xi32>
    %get3A_528 = arith.constant 32 : index
    %get3A_529 = tpu.vector_load %arg14[%get3A_528] {strides = array<i32>} : memref<64xi32, #tpu.memory_space<vmem>>, vector<16xi32>,
    %get3A_530 = vector.shape_cast %get3A_529 : vector<16xi32> to vector<16xi32>
    %add3A_531 = arith.addi %gather3A_474, %get3A_527 : vector<16xi32>
    %swap3A_532 = arith.constant 2 : i32
    %swap3A_533 = arith.index_cast %swap3A_532 : i32 to index
    %swap3A_534 = arith.constant 32 : index
    %swap3A_535 = tpu.vector_load %arg15[%swap3A_533, %swap3A_534] {strides = array<i32>} : memref<4x128xi32, #tpu.memory_space<vmem>>, vector<1x16xi32>,
    %swap3A_536 = vector.shape_cast %swap3A_535 : vector<1x16xi32> to vector<16xi32>
    %swap3A_537 = vector.shape_cast %add3A_531 : vector<16xi32> to vector<1x16xi32>
    tpu.vector_store %arg15[%swap3A_533, %swap3A_534], %swap3A_537 {strides = array<i32>} : memref<4x128xi32, #tpu.memory_space<vmem>>, vector<1x16xi32>,
    %add3A_538 = arith.addi %gather3A_484, %get3A_530 : vector<16xi32>
    %swap3A_539 = arith.constant 2 : i32
    %swap3A_540 = arith.index_cast %swap3A_539 : i32 to index
    %swap3A_541 = arith.constant 32 : index
    %swap3A_542 = tpu.vector_load %arg16[%swap3A_540, %swap3A_541] {strides = array<i32>} : memref<4x128xi32, #tpu.memory_space<vmem>>, vector<1x16xi32>,
    %swap3A_543 = vector.shape_cast %swap3A_542 : vector<1x16xi32> to vector<16xi32>
    %swap3A_544 = vector.shape_cast %add3A_538 : vector<16xi32> to vector<1x16xi32>
    tpu.vector_store %arg16[%swap3A_540, %swap3A_541], %swap3A_544 {strides = array<i32>} : memref<4x128xi32, #tpu.memory_space<vmem>>, vector<1x16xi32>,
    %get3A_545 = arith.constant 48 : index
    %get3A_546 = tpu.vector_load %arg13[%get3A_545] {strides = array<i32>} : memref<64xi32, #tpu.memory_space<vmem>>, vector<16xi32>,
    %get3A_547 = vector.shape_cast %get3A_546 : vector<16xi32> to vector<16xi32>
    %get3A_548 = arith.constant 48 : index
    %get3A_549 = tpu.vector_load %arg14[%get3A_548] {strides = array<i32>} : memref<64xi32, #tpu.memory_space<vmem>>, vector<16xi32>,
    %get3A_550 = vector.shape_cast %get3A_549 : vector<16xi32> to vector<16xi32>
    %add3A_551 = arith.addi %gather3A_474, %get3A_547 : vector<16xi32>
    %swap3A_552 = arith.constant 2 : i32
    %swap3A_553 = arith.index_cast %swap3A_552 : i32 to index
    %swap3A_554 = arith.constant 48 : index
    %swap3A_555 = tpu.vector_load %arg15[%swap3A_553, %swap3A_554] {strides = array<i32>} : memref<4x128xi32, #tpu.memory_space<vmem>>, vector<1x16xi32>,
    %swap3A_556 = vector.shape_cast %swap3A_555 : vector<1x16xi32> to vector<16xi32>
    %swap3A_557 = vector.shape_cast %add3A_551 : vector<16xi32> to vector<1x16xi32>
    tpu.vector_store %arg15[%swap3A_553, %swap3A_554], %swap3A_557 {strides = array<i32>} : memref<4x128xi32, #tpu.memory_space<vmem>>, vector<1x16xi32>,
    %add3A_558 = arith.addi %gather3A_484, %get3A_550 : vector<16xi32>
    %swap3A_559 = arith.constant 2 : i32
    %swap3A_560 = arith.index_cast %swap3A_559 : i32 to index
    %swap3A_561 = arith.constant 48 : index
    %swap3A_562 = tpu.vector_load %arg16[%swap3A_560, %swap3A_561] {strides = array<i32>} : memref<4x128xi32, #tpu.memory_space<vmem>>, vector<1x16xi32>,
    %swap3A_563 = vector.shape_cast %swap3A_562 : vector<1x16xi32> to vector<16xi32>
    %swap3A_564 = vector.shape_cast %add3A_558 : vector<16xi32> to vector<1x16xi32>
    tpu.vector_store %arg16[%swap3A_560, %swap3A_561], %swap3A_564 {strides = array<i32>} : memref<4x128xi32, #tpu.memory_space<vmem>>, vector<1x16xi32>,
    %broadcast_in_dim3A_565 = arith.constant 5 : i32
    %broadcast_in_dim3A_566 = vector.broadcast %broadcast_in_dim3A_565 : i32 to vector<16xi32>
    %lt3A_567 = arith.constant 0 : i32
    %lt3A_568 = vector.broadcast %lt3A_567 : i32 to vector<16xi32>
    %lt3A_569 = arith.cmpi slt, %broadcast_in_dim3A_566, %lt3A_568 : vector<16xi32>
    %add3A_570 = arith.constant 16 : i32
    %add3A_571 = vector.broadcast %add3A_570 : i32 to vector<16xi32>
    %add3A_572 = arith.addi %broadcast_in_dim3A_566, %add3A_571 : vector<16xi32>
    %select_n3A_573 = arith.select %lt3A_569, %add3A_572, %broadcast_in_dim3A_566 : vector<16xi1>, vector<16xi32>
    %broadcast_in_dim3A_574 = vector.shape_cast %select_n3A_573 : vector<16xi32> to vector<16x1xi32>
    %gather3A_575 = vector.shape_cast %broadcast_in_dim3A_574 : vector<16x1xi32> to vector<16xi32>
    %gather3A_576 = tpu.dynamic_gather %add3A_41[%gather3A_575] in [0] : vector<16xi32>, vector<16xi32> -> vector<16xi32>
    %lt3A_577 = arith.constant 0 : i32
    %lt3A_578 = vector.broadcast %lt3A_577 : i32 to vector<16xi32>
    %lt3A_579 = arith.cmpi slt, %broadcast_in_dim3A_566, %lt3A_578 : vector<16xi32>
    %add3A_580 = arith.constant 16 : i32
    %add3A_581 = vector.broadcast %add3A_580 : i32 to vector<16xi32>
    %add3A_582 = arith.addi %broadcast_in_dim3A_566, %add3A_581 : vector<16xi32>
    %select_n3A_583 = arith.select %lt3A_579, %add3A_582, %broadcast_in_dim3A_566 : vector<16xi1>, vector<16xi32>
    %broadcast_in_dim3A_584 = vector.shape_cast %select_n3A_583 : vector<16xi32> to vector<16x1xi32>
    %gather3A_585 = vector.shape_cast %broadcast_in_dim3A_584 : vector<16x1xi32> to vector<16xi32>
    %gather3A_586 = tpu.dynamic_gather %add3A_59[%gather3A_585] in [0] : vector<16xi32>, vector<16xi32> -> vector<16xi32>
    %get3A_587 = arith.constant 0 : index
    %get3A_588 = tpu.vector_load %arg13[%get3A_587] {strides = array<i32>} : memref<64xi32, #tpu.memory_space<vmem>>, vector<16xi32>,
    %get3A_589 = vector.shape_cast %get3A_588 : vector<16xi32> to vector<16xi32>
    %get3A_590 = arith.constant 0 : index
    %get3A_591 = tpu.vector_load %arg14[%get3A_590] {strides = array<i32>} : memref<64xi32, #tpu.memory_space<vmem>>, vector<16xi32>,
    %get3A_592 = vector.shape_cast %get3A_591 : vector<16xi32> to vector<16xi32>
    %add3A_593 = arith.addi %gather3A_576, %get3A_589 : vector<16xi32>
    %swap3A_594 = arith.constant 2 : i32
    %swap3A_595 = arith.index_cast %swap3A_594 : i32 to index
    %swap3A_596 = arith.constant 64 : index
    %swap3A_597 = tpu.vector_load %arg15[%swap3A_595, %swap3A_596] {strides = array<i32>} : memref<4x128xi32, #tpu.memory_space<vmem>>, vector<1x16xi32>,
    %swap3A_598 = vector.shape_cast %swap3A_597 : vector<1x16xi32> to vector<16xi32>
    %swap3A_599 = vector.shape_cast %add3A_593 : vector<16xi32> to vector<1x16xi32>
    tpu.vector_store %arg15[%swap3A_595, %swap3A_596], %swap3A_599 {strides = array<i32>} : memref<4x128xi32, #tpu.memory_space<vmem>>, vector<1x16xi32>,
    %add3A_600 = arith.addi %gather3A_586, %get3A_592 : vector<16xi32>
    %swap3A_601 = arith.constant 2 : i32
    %swap3A_602 = arith.index_cast %swap3A_601 : i32 to index
    %swap3A_603 = arith.constant 64 : index
    %swap3A_604 = tpu.vector_load %arg16[%swap3A_602, %swap3A_603] {strides = array<i32>} : memref<4x128xi32, #tpu.memory_space<vmem>>, vector<1x16xi32>,
    %swap3A_605 = vector.shape_cast %swap3A_604 : vector<1x16xi32> to vector<16xi32>
    %swap3A_606 = vector.shape_cast %add3A_600 : vector<16xi32> to vector<1x16xi32>
    tpu.vector_store %arg16[%swap3A_602, %swap3A_603], %swap3A_606 {strides = array<i32>} : memref<4x128xi32, #tpu.memory_space<vmem>>, vector<1x16xi32>,
    %get3A_607 = arith.constant 16 : index
    %get3A_608 = tpu.vector_load %arg13[%get3A_607] {strides = array<i32>} : memref<64xi32, #tpu.memory_space<vmem>>, vector<16xi32>,
    %get3A_609 = vector.shape_cast %get3A_608 : vector<16xi32> to vector<16xi32>
    %get3A_610 = arith.constant 16 : index
    %get3A_611 = tpu.vector_load %arg14[%get3A_610] {strides = array<i32>} : memref<64xi32, #tpu.memory_space<vmem>>, vector<16xi32>,
    %get3A_612 = vector.shape_cast %get3A_611 : vector<16xi32> to vector<16xi32>
    %add3A_613 = arith.addi %gather3A_576, %get3A_609 : vector<16xi32>
    %swap3A_614 = arith.constant 2 : i32
    %swap3A_615 = arith.index_cast %swap3A_614 : i32 to index
    %swap3A_616 = arith.constant 80 : index
    %swap3A_617 = tpu.vector_load %arg15[%swap3A_615, %swap3A_616] {strides = array<i32>} : memref<4x128xi32, #tpu.memory_space<vmem>>, vector<1x16xi32>,
    %swap3A_618 = vector.shape_cast %swap3A_617 : vector<1x16xi32> to vector<16xi32>
    %swap3A_619 = vector.shape_cast %add3A_613 : vector<16xi32> to vector<1x16xi32>
    tpu.vector_store %arg15[%swap3A_615, %swap3A_616], %swap3A_619 {strides = array<i32>} : memref<4x128xi32, #tpu.memory_space<vmem>>, vector<1x16xi32>,
    %add3A_620 = arith.addi %gather3A_586, %get3A_612 : vector<16xi32>
    %swap3A_621 = arith.constant 2 : i32
    %swap3A_622 = arith.index_cast %swap3A_621 : i32 to index
    %swap3A_623 = arith.constant 80 : index
    %swap3A_624 = tpu.vector_load %arg16[%swap3A_622, %swap3A_623] {strides = array<i32>} : memref<4x128xi32, #tpu.memory_space<vmem>>, vector<1x16xi32>,
    %swap3A_625 = vector.shape_cast %swap3A_624 : vector<1x16xi32> to vector<16xi32>
    %swap3A_626 = vector.shape_cast %add3A_620 : vector<16xi32> to vector<1x16xi32>
    tpu.vector_store %arg16[%swap3A_622, %swap3A_623], %swap3A_626 {strides = array<i32>} : memref<4x128xi32, #tpu.memory_space<vmem>>, vector<1x16xi32>,
    %get3A_627 = arith.constant 32 : index
    %get3A_628 = tpu.vector_load %arg13[%get3A_627] {strides = array<i32>} : memref<64xi32, #tpu.memory_space<vmem>>, vector<16xi32>,
    %get3A_629 = vector.shape_cast %get3A_628 : vector<16xi32> to vector<16xi32>
    %get3A_630 = arith.constant 32 : index
    %get3A_631 = tpu.vector_load %arg14[%get3A_630] {strides = array<i32>} : memref<64xi32, #tpu.memory_space<vmem>>, vector<16xi32>,
    %get3A_632 = vector.shape_cast %get3A_631 : vector<16xi32> to vector<16xi32>
    %add3A_633 = arith.addi %gather3A_576, %get3A_629 : vector<16xi32>
    %swap3A_634 = arith.constant 2 : i32
    %swap3A_635 = arith.index_cast %swap3A_634 : i32 to index
    %swap3A_636 = arith.constant 96 : index
    %swap3A_637 = tpu.vector_load %arg15[%swap3A_635, %swap3A_636] {strides = array<i32>} : memref<4x128xi32, #tpu.memory_space<vmem>>, vector<1x16xi32>,
    %swap3A_638 = vector.shape_cast %swap3A_637 : vector<1x16xi32> to vector<16xi32>
    %swap3A_639 = vector.shape_cast %add3A_633 : vector<16xi32> to vector<1x16xi32>
    tpu.vector_store %arg15[%swap3A_635, %swap3A_636], %swap3A_639 {strides = array<i32>} : memref<4x128xi32, #tpu.memory_space<vmem>>, vector<1x16xi32>,
    %add3A_640 = arith.addi %gather3A_586, %get3A_632 : vector<16xi32>
    %swap3A_641 = arith.constant 2 : i32
    %swap3A_642 = arith.index_cast %swap3A_641 : i32 to index
    %swap3A_643 = arith.constant 96 : index
    %swap3A_644 = tpu.vector_load %arg16[%swap3A_642, %swap3A_643] {strides = array<i32>} : memref<4x128xi32, #tpu.memory_space<vmem>>, vector<1x16xi32>,
    %swap3A_645 = vector.shape_cast %swap3A_644 : vector<1x16xi32> to vector<16xi32>
    %swap3A_646 = vector.shape_cast %add3A_640 : vector<16xi32> to vector<1x16xi32>
    tpu.vector_store %arg16[%swap3A_642, %swap3A_643], %swap3A_646 {strides = array<i32>} : memref<4x128xi32, #tpu.memory_space<vmem>>, vector<1x16xi32>,
    %get3A_647 = arith.constant 48 : index
    %get3A_648 = tpu.vector_load %arg13[%get3A_647] {strides = array<i32>} : memref<64xi32, #tpu.memory_space<vmem>>, vector<16xi32>,
    %get3A_649 = vector.shape_cast %get3A_648 : vector<16xi32> to vector<16xi32>
    %get3A_650 = arith.constant 48 : index
    %get3A_651 = tpu.vector_load %arg14[%get3A_650] {strides = array<i32>} : memref<64xi32, #tpu.memory_space<vmem>>, vector<16xi32>,
    %get3A_652 = vector.shape_cast %get3A_651 : vector<16xi32> to vector<16xi32>
    %add3A_653 = arith.addi %gather3A_576, %get3A_649 : vector<16xi32>
    %swap3A_654 = arith.constant 2 : i32
    %swap3A_655 = arith.index_cast %swap3A_654 : i32 to index
    %swap3A_656 = arith.constant 112 : index
    %swap3A_657 = tpu.vector_load %arg15[%swap3A_655, %swap3A_656] {strides = array<i32>} : memref<4x128xi32, #tpu.memory_space<vmem>>, vector<1x16xi32>,
    %swap3A_658 = vector.shape_cast %swap3A_657 : vector<1x16xi32> to vector<16xi32>
    %swap3A_659 = vector.shape_cast %add3A_653 : vector<16xi32> to vector<1x16xi32>
    tpu.vector_store %arg15[%swap3A_655, %swap3A_656], %swap3A_659 {strides = array<i32>} : memref<4x128xi32, #tpu.memory_space<vmem>>, vector<1x16xi32>,
    %add3A_660 = arith.addi %gather3A_586, %get3A_652 : vector<16xi32>
    %swap3A_661 = arith.constant 2 : i32
    %swap3A_662 = arith.index_cast %swap3A_661 : i32 to index
    %swap3A_663 = arith.constant 112 : index
    %swap3A_664 = tpu.vector_load %arg16[%swap3A_662, %swap3A_663] {strides = array<i32>} : memref<4x128xi32, #tpu.memory_space<vmem>>, vector<1x16xi32>,
    %swap3A_665 = vector.shape_cast %swap3A_664 : vector<1x16xi32> to vector<16xi32>
    %swap3A_666 = vector.shape_cast %add3A_660 : vector<16xi32> to vector<1x16xi32>
    tpu.vector_store %arg16[%swap3A_662, %swap3A_663], %swap3A_666 {strides = array<i32>} : memref<4x128xi32, #tpu.memory_space<vmem>>, vector<1x16xi32>,
    %broadcast_in_dim3A_667 = arith.constant 6 : i32
    %broadcast_in_dim3A_668 = vector.broadcast %broadcast_in_dim3A_667 : i32 to vector<16xi32>
    %lt3A_669 = arith.constant 0 : i32
    %lt3A_670 = vector.broadcast %lt3A_669 : i32 to vector<16xi32>
    %lt3A_671 = arith.cmpi slt, %broadcast_in_dim3A_668, %lt3A_670 : vector<16xi32>
    %add3A_672 = arith.constant 16 : i32
    %add3A_673 = vector.broadcast %add3A_672 : i32 to vector<16xi32>
    %add3A_674 = arith.addi %broadcast_in_dim3A_668, %add3A_673 : vector<16xi32>
    %select_n3A_675 = arith.select %lt3A_671, %add3A_674, %broadcast_in_dim3A_668 : vector<16xi1>, vector<16xi32>
    %broadcast_in_dim3A_676 = vector.shape_cast %select_n3A_675 : vector<16xi32> to vector<16x1xi32>
    %gather3A_677 = vector.shape_cast %broadcast_in_dim3A_676 : vector<16x1xi32> to vector<16xi32>
    %gather3A_678 = tpu.dynamic_gather %add3A_41[%gather3A_677] in [0] : vector<16xi32>, vector<16xi32> -> vector<16xi32>
    %lt3A_679 = arith.constant 0 : i32
    %lt3A_680 = vector.broadcast %lt3A_679 : i32 to vector<16xi32>
    %lt3A_681 = arith.cmpi slt, %broadcast_in_dim3A_668, %lt3A_680 : vector<16xi32>
    %add3A_682 = arith.constant 16 : i32
    %add3A_683 = vector.broadcast %add3A_682 : i32 to vector<16xi32>
    %add3A_684 = arith.addi %broadcast_in_dim3A_668, %add3A_683 : vector<16xi32>
    %select_n3A_685 = arith.select %lt3A_681, %add3A_684, %broadcast_in_dim3A_668 : vector<16xi1>, vector<16xi32>
    %broadcast_in_dim3A_686 = vector.shape_cast %select_n3A_685 : vector<16xi32> to vector<16x1xi32>
    %gather3A_687 = vector.shape_cast %broadcast_in_dim3A_686 : vector<16x1xi32> to vector<16xi32>
    %gather3A_688 = tpu.dynamic_gather %add3A_59[%gather3A_687] in [0] : vector<16xi32>, vector<16xi32> -> vector<16xi32>
    %get3A_689 = arith.constant 0 : index
    %get3A_690 = tpu.vector_load %arg13[%get3A_689] {strides = array<i32>} : memref<64xi32, #tpu.memory_space<vmem>>, vector<16xi32>,
    %get3A_691 = vector.shape_cast %get3A_690 : vector<16xi32> to vector<16xi32>
    %get3A_692 = arith.constant 0 : index
    %get3A_693 = tpu.vector_load %arg14[%get3A_692] {strides = array<i32>} : memref<64xi32, #tpu.memory_space<vmem>>, vector<16xi32>,
    %get3A_694 = vector.shape_cast %get3A_693 : vector<16xi32> to vector<16xi32>
    %add3A_695 = arith.addi %gather3A_678, %get3A_691 : vector<16xi32>
    %swap3A_696 = arith.constant 3 : i32
    %swap3A_697 = arith.index_cast %swap3A_696 : i32 to index
    %swap3A_698 = arith.constant 0 : index
    %swap3A_699 = tpu.vector_load %arg15[%swap3A_697, %swap3A_698] {strides = array<i32>} : memref<4x128xi32, #tpu.memory_space<vmem>>, vector<1x16xi32>,
    %swap3A_700 = vector.shape_cast %swap3A_699 : vector<1x16xi32> to vector<16xi32>
    %swap3A_701 = vector.shape_cast %add3A_695 : vector<16xi32> to vector<1x16xi32>
    tpu.vector_store %arg15[%swap3A_697, %swap3A_698], %swap3A_701 {strides = array<i32>} : memref<4x128xi32, #tpu.memory_space<vmem>>, vector<1x16xi32>,
    %add3A_702 = arith.addi %gather3A_688, %get3A_694 : vector<16xi32>
    %swap3A_703 = arith.constant 3 : i32
    %swap3A_704 = arith.index_cast %swap3A_703 : i32 to index
    %swap3A_705 = arith.constant 0 : index
    %swap3A_706 = tpu.vector_load %arg16[%swap3A_704, %swap3A_705] {strides = array<i32>} : memref<4x128xi32, #tpu.memory_space<vmem>>, vector<1x16xi32>,
    %swap3A_707 = vector.shape_cast %swap3A_706 : vector<1x16xi32> to vector<16xi32>
    %swap3A_708 = vector.shape_cast %add3A_702 : vector<16xi32> to vector<1x16xi32>
    tpu.vector_store %arg16[%swap3A_704, %swap3A_705], %swap3A_708 {strides = array<i32>} : memref<4x128xi32, #tpu.memory_space<vmem>>, vector<1x16xi32>,
    %get3A_709 = arith.constant 16 : index
    %get3A_710 = tpu.vector_load %arg13[%get3A_709] {strides = array<i32>} : memref<64xi32, #tpu.memory_space<vmem>>, vector<16xi32>,
    %get3A_711 = vector.shape_cast %get3A_710 : vector<16xi32> to vector<16xi32>
    %get3A_712 = arith.constant 16 : index
    %get3A_713 = tpu.vector_load %arg14[%get3A_712] {strides = array<i32>} : memref<64xi32, #tpu.memory_space<vmem>>, vector<16xi32>,
    %get3A_714 = vector.shape_cast %get3A_713 : vector<16xi32> to vector<16xi32>
    %add3A_715 = arith.addi %gather3A_678, %get3A_711 : vector<16xi32>
    %swap3A_716 = arith.constant 3 : i32
    %swap3A_717 = arith.index_cast %swap3A_716 : i32 to index
    %swap3A_718 = arith.constant 16 : index
    %swap3A_719 = tpu.vector_load %arg15[%swap3A_717, %swap3A_718] {strides = array<i32>} : memref<4x128xi32, #tpu.memory_space<vmem>>, vector<1x16xi32>,
    %swap3A_720 = vector.shape_cast %swap3A_719 : vector<1x16xi32> to vector<16xi32>
    %swap3A_721 = vector.shape_cast %add3A_715 : vector<16xi32> to vector<1x16xi32>
    tpu.vector_store %arg15[%swap3A_717, %swap3A_718], %swap3A_721 {strides = array<i32>} : memref<4x128xi32, #tpu.memory_space<vmem>>, vector<1x16xi32>,
    %add3A_722 = arith.addi %gather3A_688, %get3A_714 : vector<16xi32>
    %swap3A_723 = arith.constant 3 : i32
    %swap3A_724 = arith.index_cast %swap3A_723 : i32 to index
    %swap3A_725 = arith.constant 16 : index
    %swap3A_726 = tpu.vector_load %arg16[%swap3A_724, %swap3A_725] {strides = array<i32>} : memref<4x128xi32, #tpu.memory_space<vmem>>, vector<1x16xi32>,
    %swap3A_727 = vector.shape_cast %swap3A_726 : vector<1x16xi32> to vector<16xi32>
    %swap3A_728 = vector.shape_cast %add3A_722 : vector<16xi32> to vector<1x16xi32>
    tpu.vector_store %arg16[%swap3A_724, %swap3A_725], %swap3A_728 {strides = array<i32>} : memref<4x128xi32, #tpu.memory_space<vmem>>, vector<1x16xi32>,
    %get3A_729 = arith.constant 32 : index
    %get3A_730 = tpu.vector_load %arg13[%get3A_729] {strides = array<i32>} : memref<64xi32, #tpu.memory_space<vmem>>, vector<16xi32>,
    %get3A_731 = vector.shape_cast %get3A_730 : vector<16xi32> to vector<16xi32>
    %get3A_732 = arith.constant 32 : index
    %get3A_733 = tpu.vector_load %arg14[%get3A_732] {strides = array<i32>} : memref<64xi32, #tpu.memory_space<vmem>>, vector<16xi32>,
    %get3A_734 = vector.shape_cast %get3A_733 : vector<16xi32> to vector<16xi32>
    %add3A_735 = arith.addi %gather3A_678, %get3A_731 : vector<16xi32>
    %swap3A_736 = arith.constant 3 : i32
    %swap3A_737 = arith.index_cast %swap3A_736 : i32 to index
    %swap3A_738 = arith.constant 32 : index
    %swap3A_739 = tpu.vector_load %arg15[%swap3A_737, %swap3A_738] {strides = array<i32>} : memref<4x128xi32, #tpu.memory_space<vmem>>, vector<1x16xi32>,
    %swap3A_740 = vector.shape_cast %swap3A_739 : vector<1x16xi32> to vector<16xi32>
    %swap3A_741 = vector.shape_cast %add3A_735 : vector<16xi32> to vector<1x16xi32>
    tpu.vector_store %arg15[%swap3A_737, %swap3A_738], %swap3A_741 {strides = array<i32>} : memref<4x128xi32, #tpu.memory_space<vmem>>, vector<1x16xi32>,
    %add3A_742 = arith.addi %gather3A_688, %get3A_734 : vector<16xi32>
    %swap3A_743 = arith.constant 3 : i32
    %swap3A_744 = arith.index_cast %swap3A_743 : i32 to index
    %swap3A_745 = arith.constant 32 : index
    %swap3A_746 = tpu.vector_load %arg16[%swap3A_744, %swap3A_745] {strides = array<i32>} : memref<4x128xi32, #tpu.memory_space<vmem>>, vector<1x16xi32>,
    %swap3A_747 = vector.shape_cast %swap3A_746 : vector<1x16xi32> to vector<16xi32>
    %swap3A_748 = vector.shape_cast %add3A_742 : vector<16xi32> to vector<1x16xi32>
    tpu.vector_store %arg16[%swap3A_744, %swap3A_745], %swap3A_748 {strides = array<i32>} : memref<4x128xi32, #tpu.memory_space<vmem>>, vector<1x16xi32>,
    %get3A_749 = arith.constant 48 : index
    %get3A_750 = tpu.vector_load %arg13[%get3A_749] {strides = array<i32>} : memref<64xi32, #tpu.memory_space<vmem>>, vector<16xi32>,
    %get3A_751 = vector.shape_cast %get3A_750 : vector<16xi32> to vector<16xi32>
    %get3A_752 = arith.constant 48 : index
    %get3A_753 = tpu.vector_load %arg14[%get3A_752] {strides = array<i32>} : memref<64xi32, #tpu.memory_space<vmem>>, vector<16xi32>,
    %get3A_754 = vector.shape_cast %get3A_753 : vector<16xi32> to vector<16xi32>
    %add3A_755 = arith.addi %gather3A_678, %get3A_751 : vector<16xi32>
    %swap3A_756 = arith.constant 3 : i32
    %swap3A_757 = arith.index_cast %swap3A_756 : i32 to index
    %swap3A_758 = arith.constant 48 : index
    %swap3A_759 = tpu.vector_load %arg15[%swap3A_757, %swap3A_758] {strides = array<i32>} : memref<4x128xi32, #tpu.memory_space<vmem>>, vector<1x16xi32>,
    %swap3A_760 = vector.shape_cast %swap3A_759 : vector<1x16xi32> to vector<16xi32>
    %swap3A_761 = vector.shape_cast %add3A_755 : vector<16xi32> to vector<1x16xi32>
    tpu.vector_store %arg15[%swap3A_757, %swap3A_758], %swap3A_761 {strides = array<i32>} : memref<4x128xi32, #tpu.memory_space<vmem>>, vector<1x16xi32>,
    %add3A_762 = arith.addi %gather3A_688, %get3A_754 : vector<16xi32>
    %swap3A_763 = arith.constant 3 : i32
    %swap3A_764 = arith.index_cast %swap3A_763 : i32 to index
    %swap3A_765 = arith.constant 48 : index
    %swap3A_766 = tpu.vector_load %arg16[%swap3A_764, %swap3A_765] {strides = array<i32>} : memref<4x128xi32, #tpu.memory_space<vmem>>, vector<1x16xi32>,
    %swap3A_767 = vector.shape_cast %swap3A_766 : vector<1x16xi32> to vector<16xi32>
    %swap3A_768 = vector.shape_cast %add3A_762 : vector<16xi32> to vector<1x16xi32>
    tpu.vector_store %arg16[%swap3A_764, %swap3A_765], %swap3A_768 {strides = array<i32>} : memref<4x128xi32, #tpu.memory_space<vmem>>, vector<1x16xi32>,
    %broadcast_in_dim3A_769 = arith.constant 7 : i32
    %broadcast_in_dim3A_770 = vector.broadcast %broadcast_in_dim3A_769 : i32 to vector<16xi32>
    %lt3A_771 = arith.constant 0 : i32
    %lt3A_772 = vector.broadcast %lt3A_771 : i32 to vector<16xi32>
    %lt3A_773 = arith.cmpi slt, %broadcast_in_dim3A_770, %lt3A_772 : vector<16xi32>
    %add3A_774 = arith.constant 16 : i32
    %add3A_775 = vector.broadcast %add3A_774 : i32 to vector<16xi32>
    %add3A_776 = arith.addi %broadcast_in_dim3A_770, %add3A_775 : vector<16xi32>
    %select_n3A_777 = arith.select %lt3A_773, %add3A_776, %broadcast_in_dim3A_770 : vector<16xi1>, vector<16xi32>
    %broadcast_in_dim3A_778 = vector.shape_cast %select_n3A_777 : vector<16xi32> to vector<16x1xi32>
    %gather3A_779 = vector.shape_cast %broadcast_in_dim3A_778 : vector<16x1xi32> to vector<16xi32>
    %gather3A_780 = tpu.dynamic_gather %add3A_41[%gather3A_779] in [0] : vector<16xi32>, vector<16xi32> -> vector<16xi32>
    %lt3A_781 = arith.constant 0 : i32
    %lt3A_782 = vector.broadcast %lt3A_781 : i32 to vector<16xi32>
    %lt3A_783 = arith.cmpi slt, %broadcast_in_dim3A_770, %lt3A_782 : vector<16xi32>
    %add3A_784 = arith.constant 16 : i32
    %add3A_785 = vector.broadcast %add3A_784 : i32 to vector<16xi32>
    %add3A_786 = arith.addi %broadcast_in_dim3A_770, %add3A_785 : vector<16xi32>
    %select_n3A_787 = arith.select %lt3A_783, %add3A_786, %broadcast_in_dim3A_770 : vector<16xi1>, vector<16xi32>
    %broadcast_in_dim3A_788 = vector.shape_cast %select_n3A_787 : vector<16xi32> to vector<16x1xi32>
    %gather3A_789 = vector.shape_cast %broadcast_in_dim3A_788 : vector<16x1xi32> to vector<16xi32>
    %gather3A_790 = tpu.dynamic_gather %add3A_59[%gather3A_789] in [0] : vector<16xi32>, vector<16xi32> -> vector<16xi32>
    %get3A_791 = arith.constant 0 : index
    %get3A_792 = tpu.vector_load %arg13[%get3A_791] {strides = array<i32>} : memref<64xi32, #tpu.memory_space<vmem>>, vector<16xi32>,
    %get3A_793 = vector.shape_cast %get3A_792 : vector<16xi32> to vector<16xi32>
    %get3A_794 = arith.constant 0 : index
    %get3A_795 = tpu.vector_load %arg14[%get3A_794] {strides = array<i32>} : memref<64xi32, #tpu.memory_space<vmem>>, vector<16xi32>,
    %get3A_796 = vector.shape_cast %get3A_795 : vector<16xi32> to vector<16xi32>
    %add3A_797 = arith.addi %gather3A_780, %get3A_793 : vector<16xi32>
    %swap3A_798 = arith.constant 3 : i32
    %swap3A_799 = arith.index_cast %swap3A_798 : i32 to index
    %swap3A_800 = arith.constant 64 : index
    %swap3A_801 = tpu.vector_load %arg15[%swap3A_799, %swap3A_800] {strides = array<i32>} : memref<4x128xi32, #tpu.memory_space<vmem>>, vector<1x16xi32>,
    %swap3A_802 = vector.shape_cast %swap3A_801 : vector<1x16xi32> to vector<16xi32>
    %swap3A_803 = vector.shape_cast %add3A_797 : vector<16xi32> to vector<1x16xi32>
    tpu.vector_store %arg15[%swap3A_799, %swap3A_800], %swap3A_803 {strides = array<i32>} : memref<4x128xi32, #tpu.memory_space<vmem>>, vector<1x16xi32>,
    %add3A_804 = arith.addi %gather3A_790, %get3A_796 : vector<16xi32>
    %swap3A_805 = arith.constant 3 : i32
    %swap3A_806 = arith.index_cast %swap3A_805 : i32 to index
    %swap3A_807 = arith.constant 64 : index
    %swap3A_808 = tpu.vector_load %arg16[%swap3A_806, %swap3A_807] {strides = array<i32>} : memref<4x128xi32, #tpu.memory_space<vmem>>, vector<1x16xi32>,
    %swap3A_809 = vector.shape_cast %swap3A_808 : vector<1x16xi32> to vector<16xi32>
    %swap3A_810 = vector.shape_cast %add3A_804 : vector<16xi32> to vector<1x16xi32>
    tpu.vector_store %arg16[%swap3A_806, %swap3A_807], %swap3A_810 {strides = array<i32>} : memref<4x128xi32, #tpu.memory_space<vmem>>, vector<1x16xi32>,
    %get3A_811 = arith.constant 16 : index
    %get3A_812 = tpu.vector_load %arg13[%get3A_811] {strides = array<i32>} : memref<64xi32, #tpu.memory_space<vmem>>, vector<16xi32>,
    %get3A_813 = vector.shape_cast %get3A_812 : vector<16xi32> to vector<16xi32>
    %get3A_814 = arith.constant 16 : index
    %get3A_815 = tpu.vector_load %arg14[%get3A_814] {strides = array<i32>} : memref<64xi32, #tpu.memory_space<vmem>>, vector<16xi32>,
    %get3A_816 = vector.shape_cast %get3A_815 : vector<16xi32> to vector<16xi32>
    %add3A_817 = arith.addi %gather3A_780, %get3A_813 : vector<16xi32>
    %swap3A_818 = arith.constant 3 : i32
    %swap3A_819 = arith.index_cast %swap3A_818 : i32 to index
    %swap3A_820 = arith.constant 80 : index
    %swap3A_821 = tpu.vector_load %arg15[%swap3A_819, %swap3A_820] {strides = array<i32>} : memref<4x128xi32, #tpu.memory_space<vmem>>, vector<1x16xi32>,
    %swap3A_822 = vector.shape_cast %swap3A_821 : vector<1x16xi32> to vector<16xi32>
    %swap3A_823 = vector.shape_cast %add3A_817 : vector<16xi32> to vector<1x16xi32>
    tpu.vector_store %arg15[%swap3A_819, %swap3A_820], %swap3A_823 {strides = array<i32>} : memref<4x128xi32, #tpu.memory_space<vmem>>, vector<1x16xi32>,
    %add3A_824 = arith.addi %gather3A_790, %get3A_816 : vector<16xi32>
    %swap3A_825 = arith.constant 3 : i32
    %swap3A_826 = arith.index_cast %swap3A_825 : i32 to index
    %swap3A_827 = arith.constant 80 : index
    %swap3A_828 = tpu.vector_load %arg16[%swap3A_826, %swap3A_827] {strides = array<i32>} : memref<4x128xi32, #tpu.memory_space<vmem>>, vector<1x16xi32>,
    %swap3A_829 = vector.shape_cast %swap3A_828 : vector<1x16xi32> to vector<16xi32>
    %swap3A_830 = vector.shape_cast %add3A_824 : vector<16xi32> to vector<1x16xi32>
    tpu.vector_store %arg16[%swap3A_826, %swap3A_827], %swap3A_830 {strides = array<i32>} : memref<4x128xi32, #tpu.memory_space<vmem>>, vector<1x16xi32>,
    %get3A_831 = arith.constant 32 : index
    %get3A_832 = tpu.vector_load %arg13[%get3A_831] {strides = array<i32>} : memref<64xi32, #tpu.memory_space<vmem>>, vector<16xi32>,
    %get3A_833 = vector.shape_cast %get3A_832 : vector<16xi32> to vector<16xi32>
    %get3A_834 = arith.constant 32 : index
    %get3A_835 = tpu.vector_load %arg14[%get3A_834] {strides = array<i32>} : memref<64xi32, #tpu.memory_space<vmem>>, vector<16xi32>,
    %get3A_836 = vector.shape_cast %get3A_835 : vector<16xi32> to vector<16xi32>
    %add3A_837 = arith.addi %gather3A_780, %get3A_833 : vector<16xi32>
    %swap3A_838 = arith.constant 3 : i32
    %swap3A_839 = arith.index_cast %swap3A_838 : i32 to index
    %swap3A_840 = arith.constant 96 : index
    %swap3A_841 = tpu.vector_load %arg15[%swap3A_839, %swap3A_840] {strides = array<i32>} : memref<4x128xi32, #tpu.memory_space<vmem>>, vector<1x16xi32>,
    %swap3A_842 = vector.shape_cast %swap3A_841 : vector<1x16xi32> to vector<16xi32>
    %swap3A_843 = vector.shape_cast %add3A_837 : vector<16xi32> to vector<1x16xi32>
    tpu.vector_store %arg15[%swap3A_839, %swap3A_840], %swap3A_843 {strides = array<i32>} : memref<4x128xi32, #tpu.memory_space<vmem>>, vector<1x16xi32>,
    %add3A_844 = arith.addi %gather3A_790, %get3A_836 : vector<16xi32>
    %swap3A_845 = arith.constant 3 : i32
    %swap3A_846 = arith.index_cast %swap3A_845 : i32 to index
    %swap3A_847 = arith.constant 96 : index
    %swap3A_848 = tpu.vector_load %arg16[%swap3A_846, %swap3A_847] {strides = array<i32>} : memref<4x128xi32, #tpu.memory_space<vmem>>, vector<1x16xi32>,
    %swap3A_849 = vector.shape_cast %swap3A_848 : vector<1x16xi32> to vector<16xi32>
    %swap3A_850 = vector.shape_cast %add3A_844 : vector<16xi32> to vector<1x16xi32>
    tpu.vector_store %arg16[%swap3A_846, %swap3A_847], %swap3A_850 {strides = array<i32>} : memref<4x128xi32, #tpu.memory_space<vmem>>, vector<1x16xi32>,
    %get3A_851 = arith.constant 48 : index
    %get3A_852 = tpu.vector_load %arg13[%get3A_851] {strides = array<i32>} : memref<64xi32, #tpu.memory_space<vmem>>, vector<16xi32>,
    %get3A_853 = vector.shape_cast %get3A_852 : vector<16xi32> to vector<16xi32>
    %get3A_854 = arith.constant 48 : index
    %get3A_855 = tpu.vector_load %arg14[%get3A_854] {strides = array<i32>} : memref<64xi32, #tpu.memory_space<vmem>>, vector<16xi32>,
    %get3A_856 = vector.shape_cast %get3A_855 : vector<16xi32> to vector<16xi32>
    %add3A_857 = arith.addi %gather3A_780, %get3A_853 : vector<16xi32>
    %swap3A_858 = arith.constant 3 : i32
    %swap3A_859 = arith.index_cast %swap3A_858 : i32 to index
    %swap3A_860 = arith.constant 112 : index
    %swap3A_861 = tpu.vector_load %arg15[%swap3A_859, %swap3A_860] {strides = array<i32>} : memref<4x128xi32, #tpu.memory_space<vmem>>, vector<1x16xi32>,
    %swap3A_862 = vector.shape_cast %swap3A_861 : vector<1x16xi32> to vector<16xi32>
    %swap3A_863 = vector.shape_cast %add3A_857 : vector<16xi32> to vector<1x16xi32>
    tpu.vector_store %arg15[%swap3A_859, %swap3A_860], %swap3A_863 {strides = array<i32>} : memref<4x128xi32, #tpu.memory_space<vmem>>, vector<1x16xi32>,
    %add3A_864 = arith.addi %gather3A_790, %get3A_856 : vector<16xi32>
    %swap3A_865 = arith.constant 3 : i32
    %swap3A_866 = arith.index_cast %swap3A_865 : i32 to index
    %swap3A_867 = arith.constant 112 : index
    %swap3A_868 = tpu.vector_load %arg16[%swap3A_866, %swap3A_867] {strides = array<i32>} : memref<4x128xi32, #tpu.memory_space<vmem>>, vector<1x16xi32>,
    %swap3A_869 = vector.shape_cast %swap3A_868 : vector<1x16xi32> to vector<16xi32>
    %swap3A_870 = vector.shape_cast %add3A_864 : vector<16xi32> to vector<1x16xi32>
    tpu.vector_store %arg16[%swap3A_866, %swap3A_867], %swap3A_870 {strides = array<i32>} : memref<4x128xi32, #tpu.memory_space<vmem>>, vector<1x16xi32>,
    %dma_start3A = arith.constant 0 : i32
    %dma_start3A_871 = arith.constant 0 : i32
    %dma_start3A_872 = arith.constant 0 : i32
    %dma_start3A_873 = tpu.memref_slice %arg17[%dma_start3A_871, %dma_start3A_872] : memref<4x128xf32, #tpu.memory_space<vmem>> -> memref<1x128xf32, #tpu.memory_space<vmem>>
    %dma_start3A_874 = tpu.memref_squeeze %dma_start3A_873 : memref<1x128xf32, #tpu.memory_space<vmem>> -> memref<128xf32, #tpu.memory_space<vmem>>
    %dma_start3A_875 = arith.constant 0 : i32
    %dma_start3A_876 = tpu.memref_slice %arg15[%dma_start3A, %dma_start3A_875] : memref<4x128xi32, #tpu.memory_space<vmem>> -> memref<1x128xi32, #tpu.memory_space<vmem>>
    %dma_start3A_877 = tpu.memref_squeeze %dma_start3A_876 : memref<1x128xi32, #tpu.memory_space<vmem>> -> memref<128xi32, #tpu.memory_space<vmem>>
    %dma_start3A_878 = arith.constant 0 : i32
    %dma_start3A_879 = tpu.memref_slice %arg2[%dma_start3A_878] : memref<2097152xf32, #tpu.memory_space<hbm>> -> memref<2097152xf32, #tpu.memory_space<hbm>>
    tpu.enqueue_indirect_dma source(%dma_start3A_879 : memref<2097152xf32, #tpu.memory_space<hbm>>) target(%dma_start3A_874 : memref<128xf32, #tpu.memory_space<vmem>>) offsets(%dma_start3A_877 : memref<128xi32, #tpu.memory_space<vmem>>) semaphore(%arg19 : memref<!tpu.dma_semaphore, #tpu.memory_space<semaphore_mem>>)
    %dma_start3A_880 = arith.constant 0 : i32
    %dma_start3A_881 = arith.constant 0 : i32
    %dma_start3A_882 = arith.constant 0 : i32
    %dma_start3A_883 = tpu.memref_slice %arg18[%dma_start3A_881, %dma_start3A_882] : memref<4x128xf32, #tpu.memory_space<vmem>> -> memref<1x128xf32, #tpu.memory_space<vmem>>
    %dma_start3A_884 = tpu.memref_squeeze %dma_start3A_883 : memref<1x128xf32, #tpu.memory_space<vmem>> -> memref<128xf32, #tpu.memory_space<vmem>>
    %dma_start3A_885 = arith.constant 0 : i32
    %dma_start3A_886 = tpu.memref_slice %arg16[%dma_start3A_880, %dma_start3A_885] : memref<4x128xi32, #tpu.memory_space<vmem>> -> memref<1x128xi32, #tpu.memory_space<vmem>>
    %dma_start3A_887 = tpu.memref_squeeze %dma_start3A_886 : memref<1x128xi32, #tpu.memory_space<vmem>> -> memref<128xi32, #tpu.memory_space<vmem>>
    %dma_start3A_888 = arith.constant 0 : i32
    %dma_start3A_889 = tpu.memref_slice %arg3[%dma_start3A_888] : memref<1048576xf32, #tpu.memory_space<hbm>> -> memref<1048576xf32, #tpu.memory_space<hbm>>
    tpu.enqueue_indirect_dma source(%dma_start3A_889 : memref<1048576xf32, #tpu.memory_space<hbm>>) target(%dma_start3A_884 : memref<128xf32, #tpu.memory_space<vmem>>) offsets(%dma_start3A_887 : memref<128xi32, #tpu.memory_space<vmem>>) semaphore(%arg20 : memref<!tpu.dma_semaphore, #tpu.memory_space<semaphore_mem>>)
    %dma_start3A_890 = arith.constant 1 : i32
    %dma_start3A_891 = arith.constant 1 : i32
    %dma_start3A_892 = arith.constant 0 : i32
    %dma_start3A_893 = tpu.memref_slice %arg17[%dma_start3A_891, %dma_start3A_892] : memref<4x128xf32, #tpu.memory_space<vmem>> -> memref<1x128xf32, #tpu.memory_space<vmem>>
    %dma_start3A_894 = tpu.memref_squeeze %dma_start3A_893 : memref<1x128xf32, #tpu.memory_space<vmem>> -> memref<128xf32, #tpu.memory_space<vmem>>
    %dma_start3A_895 = arith.constant 0 : i32
    %dma_start3A_896 = tpu.memref_slice %arg15[%dma_start3A_890, %dma_start3A_895] : memref<4x128xi32, #tpu.memory_space<vmem>> -> memref<1x128xi32, #tpu.memory_space<vmem>>
    %dma_start3A_897 = tpu.memref_squeeze %dma_start3A_896 : memref<1x128xi32, #tpu.memory_space<vmem>> -> memref<128xi32, #tpu.memory_space<vmem>>
    %dma_start3A_898 = arith.constant 0 : i32
    %dma_start3A_899 = tpu.memref_slice %arg2[%dma_start3A_898] : memref<2097152xf32, #tpu.memory_space<hbm>> -> memref<2097152xf32, #tpu.memory_space<hbm>>
    tpu.enqueue_indirect_dma source(%dma_start3A_899 : memref<2097152xf32, #tpu.memory_space<hbm>>) target(%dma_start3A_894 : memref<128xf32, #tpu.memory_space<vmem>>) offsets(%dma_start3A_897 : memref<128xi32, #tpu.memory_space<vmem>>) semaphore(%arg19 : memref<!tpu.dma_semaphore, #tpu.memory_space<semaphore_mem>>)
    %dma_start3A_900 = arith.constant 1 : i32
    %dma_start3A_901 = arith.constant 1 : i32
    %dma_start3A_902 = arith.constant 0 : i32
    %dma_start3A_903 = tpu.memref_slice %arg18[%dma_start3A_901, %dma_start3A_902] : memref<4x128xf32, #tpu.memory_space<vmem>> -> memref<1x128xf32, #tpu.memory_space<vmem>>
    %dma_start3A_904 = tpu.memref_squeeze %dma_start3A_903 : memref<1x128xf32, #tpu.memory_space<vmem>> -> memref<128xf32, #tpu.memory_space<vmem>>
    %dma_start3A_905 = arith.constant 0 : i32
    %dma_start3A_906 = tpu.memref_slice %arg16[%dma_start3A_900, %dma_start3A_905] : memref<4x128xi32, #tpu.memory_space<vmem>> -> memref<1x128xi32, #tpu.memory_space<vmem>>
    %dma_start3A_907 = tpu.memref_squeeze %dma_start3A_906 : memref<1x128xi32, #tpu.memory_space<vmem>> -> memref<128xi32, #tpu.memory_space<vmem>>
    %dma_start3A_908 = arith.constant 0 : i32
    %dma_start3A_909 = tpu.memref_slice %arg3[%dma_start3A_908] : memref<1048576xf32, #tpu.memory_space<hbm>> -> memref<1048576xf32, #tpu.memory_space<hbm>>
    tpu.enqueue_indirect_dma source(%dma_start3A_909 : memref<1048576xf32, #tpu.memory_space<hbm>>) target(%dma_start3A_904 : memref<128xf32, #tpu.memory_space<vmem>>) offsets(%dma_start3A_907 : memref<128xi32, #tpu.memory_space<vmem>>) semaphore(%arg20 : memref<!tpu.dma_semaphore, #tpu.memory_space<semaphore_mem>>)
    %dma_start3A_910 = arith.constant 2 : i32
    %dma_start3A_911 = arith.constant 2 : i32
    %dma_start3A_912 = arith.constant 0 : i32
    %dma_start3A_913 = tpu.memref_slice %arg17[%dma_start3A_911, %dma_start3A_912] : memref<4x128xf32, #tpu.memory_space<vmem>> -> memref<1x128xf32, #tpu.memory_space<vmem>>
    %dma_start3A_914 = tpu.memref_squeeze %dma_start3A_913 : memref<1x128xf32, #tpu.memory_space<vmem>> -> memref<128xf32, #tpu.memory_space<vmem>>
    %dma_start3A_915 = arith.constant 0 : i32
    %dma_start3A_916 = tpu.memref_slice %arg15[%dma_start3A_910, %dma_start3A_915] : memref<4x128xi32, #tpu.memory_space<vmem>> -> memref<1x128xi32, #tpu.memory_space<vmem>>
    %dma_start3A_917 = tpu.memref_squeeze %dma_start3A_916 : memref<1x128xi32, #tpu.memory_space<vmem>> -> memref<128xi32, #tpu.memory_space<vmem>>
    %dma_start3A_918 = arith.constant 0 : i32
    %dma_start3A_919 = tpu.memref_slice %arg2[%dma_start3A_918] : memref<2097152xf32, #tpu.memory_space<hbm>> -> memref<2097152xf32, #tpu.memory_space<hbm>>
    tpu.enqueue_indirect_dma source(%dma_start3A_919 : memref<2097152xf32, #tpu.memory_space<hbm>>) target(%dma_start3A_914 : memref<128xf32, #tpu.memory_space<vmem>>) offsets(%dma_start3A_917 : memref<128xi32, #tpu.memory_space<vmem>>) semaphore(%arg19 : memref<!tpu.dma_semaphore, #tpu.memory_space<semaphore_mem>>)
    %dma_start3A_920 = arith.constant 2 : i32
    %dma_start3A_921 = arith.constant 2 : i32
    %dma_start3A_922 = arith.constant 0 : i32
    %dma_start3A_923 = tpu.memref_slice %arg18[%dma_start3A_921, %dma_start3A_922] : memref<4x128xf32, #tpu.memory_space<vmem>> -> memref<1x128xf32, #tpu.memory_space<vmem>>
    %dma_start3A_924 = tpu.memref_squeeze %dma_start3A_923 : memref<1x128xf32, #tpu.memory_space<vmem>> -> memref<128xf32, #tpu.memory_space<vmem>>
    %dma_start3A_925 = arith.constant 0 : i32
    %dma_start3A_926 = tpu.memref_slice %arg16[%dma_start3A_920, %dma_start3A_925] : memref<4x128xi32, #tpu.memory_space<vmem>> -> memref<1x128xi32, #tpu.memory_space<vmem>>
    %dma_start3A_927 = tpu.memref_squeeze %dma_start3A_926 : memref<1x128xi32, #tpu.memory_space<vmem>> -> memref<128xi32, #tpu.memory_space<vmem>>
    %dma_start3A_928 = arith.constant 0 : i32
    %dma_start3A_929 = tpu.memref_slice %arg3[%dma_start3A_928] : memref<1048576xf32, #tpu.memory_space<hbm>> -> memref<1048576xf32, #tpu.memory_space<hbm>>
    tpu.enqueue_indirect_dma source(%dma_start3A_929 : memref<1048576xf32, #tpu.memory_space<hbm>>) target(%dma_start3A_924 : memref<128xf32, #tpu.memory_space<vmem>>) offsets(%dma_start3A_927 : memref<128xi32, #tpu.memory_space<vmem>>) semaphore(%arg20 : memref<!tpu.dma_semaphore, #tpu.memory_space<semaphore_mem>>)
    %dma_start3A_930 = arith.constant 3 : i32
    %dma_start3A_931 = arith.constant 3 : i32
    %dma_start3A_932 = arith.constant 0 : i32
    %dma_start3A_933 = tpu.memref_slice %arg17[%dma_start3A_931, %dma_start3A_932] : memref<4x128xf32, #tpu.memory_space<vmem>> -> memref<1x128xf32, #tpu.memory_space<vmem>>
    %dma_start3A_934 = tpu.memref_squeeze %dma_start3A_933 : memref<1x128xf32, #tpu.memory_space<vmem>> -> memref<128xf32, #tpu.memory_space<vmem>>
    %dma_start3A_935 = arith.constant 0 : i32
    %dma_start3A_936 = tpu.memref_slice %arg15[%dma_start3A_930, %dma_start3A_935] : memref<4x128xi32, #tpu.memory_space<vmem>> -> memref<1x128xi32, #tpu.memory_space<vmem>>
    %dma_start3A_937 = tpu.memref_squeeze %dma_start3A_936 : memref<1x128xi32, #tpu.memory_space<vmem>> -> memref<128xi32, #tpu.memory_space<vmem>>
    %dma_start3A_938 = arith.constant 0 : i32
    %dma_start3A_939 = tpu.memref_slice %arg2[%dma_start3A_938] : memref<2097152xf32, #tpu.memory_space<hbm>> -> memref<2097152xf32, #tpu.memory_space<hbm>>
    tpu.enqueue_indirect_dma source(%dma_start3A_939 : memref<2097152xf32, #tpu.memory_space<hbm>>) target(%dma_start3A_934 : memref<128xf32, #tpu.memory_space<vmem>>) offsets(%dma_start3A_937 : memref<128xi32, #tpu.memory_space<vmem>>) semaphore(%arg19 : memref<!tpu.dma_semaphore, #tpu.memory_space<semaphore_mem>>)
    %dma_start3A_940 = arith.constant 3 : i32
    %dma_start3A_941 = arith.constant 3 : i32
    %dma_start3A_942 = arith.constant 0 : i32
    %dma_start3A_943 = tpu.memref_slice %arg18[%dma_start3A_941, %dma_start3A_942] : memref<4x128xf32, #tpu.memory_space<vmem>> -> memref<1x128xf32, #tpu.memory_space<vmem>>
    %dma_start3A_944 = tpu.memref_squeeze %dma_start3A_943 : memref<1x128xf32, #tpu.memory_space<vmem>> -> memref<128xf32, #tpu.memory_space<vmem>>
    %dma_start3A_945 = arith.constant 0 : i32
    %dma_start3A_946 = tpu.memref_slice %arg16[%dma_start3A_940, %dma_start3A_945] : memref<4x128xi32, #tpu.memory_space<vmem>> -> memref<1x128xi32, #tpu.memory_space<vmem>>
    %dma_start3A_947 = tpu.memref_squeeze %dma_start3A_946 : memref<1x128xi32, #tpu.memory_space<vmem>> -> memref<128xi32, #tpu.memory_space<vmem>>
    %dma_start3A_948 = arith.constant 0 : i32
    %dma_start3A_949 = tpu.memref_slice %arg3[%dma_start3A_948] : memref<1048576xf32, #tpu.memory_space<hbm>> -> memref<1048576xf32, #tpu.memory_space<hbm>>
    tpu.enqueue_indirect_dma source(%dma_start3A_949 : memref<1048576xf32, #tpu.memory_space<hbm>>) target(%dma_start3A_944 : memref<128xf32, #tpu.memory_space<vmem>>) offsets(%dma_start3A_947 : memref<128xi32, #tpu.memory_space<vmem>>) semaphore(%arg20 : memref<!tpu.dma_semaphore, #tpu.memory_space<semaphore_mem>>)
    %dma_wait3A = arith.constant 0 : i32
    %dma_wait3A_950 = arith.constant 0 : i32
    %dma_wait3A_951 = arith.constant 0 : i32
    %dma_wait3A_952 = tpu.memref_slice %arg17[%dma_wait3A_950, %dma_wait3A_951] : memref<4x128xf32, #tpu.memory_space<vmem>> -> memref<1x128xf32, #tpu.memory_space<vmem>>
    %dma_wait3A_953 = tpu.memref_squeeze %dma_wait3A_952 : memref<1x128xf32, #tpu.memory_space<vmem>> -> memref<128xf32, #tpu.memory_space<vmem>>
    %dma_wait3A_954 = arith.constant 0 : i32
    %dma_wait3A_955 = tpu.memref_slice %arg15[%dma_wait3A, %dma_wait3A_954] : memref<4x128xi32, #tpu.memory_space<vmem>> -> memref<1x128xi32, #tpu.memory_space<vmem>>
    %dma_wait3A_956 = tpu.memref_squeeze %dma_wait3A_955 : memref<1x128xi32, #tpu.memory_space<vmem>> -> memref<128xi32, #tpu.memory_space<vmem>>
    %dma_wait3A_957 = arith.constant 0 : i32
    %dma_wait3A_958 = tpu.memref_slice %arg2[%dma_wait3A_957] : memref<2097152xf32, #tpu.memory_space<hbm>> -> memref<2097152xf32, #tpu.memory_space<hbm>>
    tpu.wait_indirect_dma semaphore(%arg19 : memref<!tpu.dma_semaphore, #tpu.memory_space<semaphore_mem>>) src(%dma_wait3A_958 : memref<2097152xf32, #tpu.memory_space<hbm>>) dst(%dma_wait3A_953 : memref<128xf32, #tpu.memory_space<vmem>>)
    %dma_wait3A_959 = arith.constant 0 : i32
    %dma_wait3A_960 = arith.constant 0 : i32
    %dma_wait3A_961 = arith.constant 0 : i32
    %dma_wait3A_962 = tpu.memref_slice %arg18[%dma_wait3A_960, %dma_wait3A_961] : memref<4x128xf32, #tpu.memory_space<vmem>> -> memref<1x128xf32, #tpu.memory_space<vmem>>
    %dma_wait3A_963 = tpu.memref_squeeze %dma_wait3A_962 : memref<1x128xf32, #tpu.memory_space<vmem>> -> memref<128xf32, #tpu.memory_space<vmem>>
    %dma_wait3A_964 = arith.constant 0 : i32
    %dma_wait3A_965 = tpu.memref_slice %arg16[%dma_wait3A_959, %dma_wait3A_964] : memref<4x128xi32, #tpu.memory_space<vmem>> -> memref<1x128xi32, #tpu.memory_space<vmem>>
    %dma_wait3A_966 = tpu.memref_squeeze %dma_wait3A_965 : memref<1x128xi32, #tpu.memory_space<vmem>> -> memref<128xi32, #tpu.memory_space<vmem>>
    %dma_wait3A_967 = arith.constant 0 : i32
    %dma_wait3A_968 = tpu.memref_slice %arg3[%dma_wait3A_967] : memref<1048576xf32, #tpu.memory_space<hbm>> -> memref<1048576xf32, #tpu.memory_space<hbm>>
    tpu.wait_indirect_dma semaphore(%arg20 : memref<!tpu.dma_semaphore, #tpu.memory_space<semaphore_mem>>) src(%dma_wait3A_968 : memref<1048576xf32, #tpu.memory_space<hbm>>) dst(%dma_wait3A_963 : memref<128xf32, #tpu.memory_space<vmem>>)
    %dma_wait3A_969 = arith.constant 1 : i32
    %dma_wait3A_970 = arith.constant 1 : i32
    %dma_wait3A_971 = arith.constant 0 : i32
    %dma_wait3A_972 = tpu.memref_slice %arg17[%dma_wait3A_970, %dma_wait3A_971] : memref<4x128xf32, #tpu.memory_space<vmem>> -> memref<1x128xf32, #tpu.memory_space<vmem>>
    %dma_wait3A_973 = tpu.memref_squeeze %dma_wait3A_972 : memref<1x128xf32, #tpu.memory_space<vmem>> -> memref<128xf32, #tpu.memory_space<vmem>>
    %dma_wait3A_974 = arith.constant 0 : i32
    %dma_wait3A_975 = tpu.memref_slice %arg15[%dma_wait3A_969, %dma_wait3A_974] : memref<4x128xi32, #tpu.memory_space<vmem>> -> memref<1x128xi32, #tpu.memory_space<vmem>>
    %dma_wait3A_976 = tpu.memref_squeeze %dma_wait3A_975 : memref<1x128xi32, #tpu.memory_space<vmem>> -> memref<128xi32, #tpu.memory_space<vmem>>
    %dma_wait3A_977 = arith.constant 0 : i32
    %dma_wait3A_978 = tpu.memref_slice %arg2[%dma_wait3A_977] : memref<2097152xf32, #tpu.memory_space<hbm>> -> memref<2097152xf32, #tpu.memory_space<hbm>>
    tpu.wait_indirect_dma semaphore(%arg19 : memref<!tpu.dma_semaphore, #tpu.memory_space<semaphore_mem>>) src(%dma_wait3A_978 : memref<2097152xf32, #tpu.memory_space<hbm>>) dst(%dma_wait3A_973 : memref<128xf32, #tpu.memory_space<vmem>>)
    %dma_wait3A_979 = arith.constant 1 : i32
    %dma_wait3A_980 = arith.constant 1 : i32
    %dma_wait3A_981 = arith.constant 0 : i32
    %dma_wait3A_982 = tpu.memref_slice %arg18[%dma_wait3A_980, %dma_wait3A_981] : memref<4x128xf32, #tpu.memory_space<vmem>> -> memref<1x128xf32, #tpu.memory_space<vmem>>
    %dma_wait3A_983 = tpu.memref_squeeze %dma_wait3A_982 : memref<1x128xf32, #tpu.memory_space<vmem>> -> memref<128xf32, #tpu.memory_space<vmem>>
    %dma_wait3A_984 = arith.constant 0 : i32
    %dma_wait3A_985 = tpu.memref_slice %arg16[%dma_wait3A_979, %dma_wait3A_984] : memref<4x128xi32, #tpu.memory_space<vmem>> -> memref<1x128xi32, #tpu.memory_space<vmem>>
    %dma_wait3A_986 = tpu.memref_squeeze %dma_wait3A_985 : memref<1x128xi32, #tpu.memory_space<vmem>> -> memref<128xi32, #tpu.memory_space<vmem>>
    %dma_wait3A_987 = arith.constant 0 : i32
    %dma_wait3A_988 = tpu.memref_slice %arg3[%dma_wait3A_987] : memref<1048576xf32, #tpu.memory_space<hbm>> -> memref<1048576xf32, #tpu.memory_space<hbm>>
    tpu.wait_indirect_dma semaphore(%arg20 : memref<!tpu.dma_semaphore, #tpu.memory_space<semaphore_mem>>) src(%dma_wait3A_988 : memref<1048576xf32, #tpu.memory_space<hbm>>) dst(%dma_wait3A_983 : memref<128xf32, #tpu.memory_space<vmem>>)
    %dma_wait3A_989 = arith.constant 2 : i32
    %dma_wait3A_990 = arith.constant 2 : i32
    %dma_wait3A_991 = arith.constant 0 : i32
    %dma_wait3A_992 = tpu.memref_slice %arg17[%dma_wait3A_990, %dma_wait3A_991] : memref<4x128xf32, #tpu.memory_space<vmem>> -> memref<1x128xf32, #tpu.memory_space<vmem>>
    %dma_wait3A_993 = tpu.memref_squeeze %dma_wait3A_992 : memref<1x128xf32, #tpu.memory_space<vmem>> -> memref<128xf32, #tpu.memory_space<vmem>>
    %dma_wait3A_994 = arith.constant 0 : i32
    %dma_wait3A_995 = tpu.memref_slice %arg15[%dma_wait3A_989, %dma_wait3A_994] : memref<4x128xi32, #tpu.memory_space<vmem>> -> memref<1x128xi32, #tpu.memory_space<vmem>>
    %dma_wait3A_996 = tpu.memref_squeeze %dma_wait3A_995 : memref<1x128xi32, #tpu.memory_space<vmem>> -> memref<128xi32, #tpu.memory_space<vmem>>
    %dma_wait3A_997 = arith.constant 0 : i32
    %dma_wait3A_998 = tpu.memref_slice %arg2[%dma_wait3A_997] : memref<2097152xf32, #tpu.memory_space<hbm>> -> memref<2097152xf32, #tpu.memory_space<hbm>>
    tpu.wait_indirect_dma semaphore(%arg19 : memref<!tpu.dma_semaphore, #tpu.memory_space<semaphore_mem>>) src(%dma_wait3A_998 : memref<2097152xf32, #tpu.memory_space<hbm>>) dst(%dma_wait3A_993 : memref<128xf32, #tpu.memory_space<vmem>>)
    %dma_wait3A_999 = arith.constant 2 : i32
    %dma_wait3A_1000 = arith.constant 2 : i32
    %dma_wait3A_1001 = arith.constant 0 : i32
    %dma_wait3A_1002 = tpu.memref_slice %arg18[%dma_wait3A_1000, %dma_wait3A_1001] : memref<4x128xf32, #tpu.memory_space<vmem>> -> memref<1x128xf32, #tpu.memory_space<vmem>>
    %dma_wait3A_1003 = tpu.memref_squeeze %dma_wait3A_1002 : memref<1x128xf32, #tpu.memory_space<vmem>> -> memref<128xf32, #tpu.memory_space<vmem>>
    %dma_wait3A_1004 = arith.constant 0 : i32
    %dma_wait3A_1005 = tpu.memref_slice %arg16[%dma_wait3A_999, %dma_wait3A_1004] : memref<4x128xi32, #tpu.memory_space<vmem>> -> memref<1x128xi32, #tpu.memory_space<vmem>>
    %dma_wait3A_1006 = tpu.memref_squeeze %dma_wait3A_1005 : memref<1x128xi32, #tpu.memory_space<vmem>> -> memref<128xi32, #tpu.memory_space<vmem>>
    %dma_wait3A_1007 = arith.constant 0 : i32
    %dma_wait3A_1008 = tpu.memref_slice %arg3[%dma_wait3A_1007] : memref<1048576xf32, #tpu.memory_space<hbm>> -> memref<1048576xf32, #tpu.memory_space<hbm>>
    tpu.wait_indirect_dma semaphore(%arg20 : memref<!tpu.dma_semaphore, #tpu.memory_space<semaphore_mem>>) src(%dma_wait3A_1008 : memref<1048576xf32, #tpu.memory_space<hbm>>) dst(%dma_wait3A_1003 : memref<128xf32, #tpu.memory_space<vmem>>)
    %dma_wait3A_1009 = arith.constant 3 : i32
    %dma_wait3A_1010 = arith.constant 3 : i32
    %dma_wait3A_1011 = arith.constant 0 : i32
    %dma_wait3A_1012 = tpu.memref_slice %arg17[%dma_wait3A_1010, %dma_wait3A_1011] : memref<4x128xf32, #tpu.memory_space<vmem>> -> memref<1x128xf32, #tpu.memory_space<vmem>>
    %dma_wait3A_1013 = tpu.memref_squeeze %dma_wait3A_1012 : memref<1x128xf32, #tpu.memory_space<vmem>> -> memref<128xf32, #tpu.memory_space<vmem>>
    %dma_wait3A_1014 = arith.constant 0 : i32
    %dma_wait3A_1015 = tpu.memref_slice %arg15[%dma_wait3A_1009, %dma_wait3A_1014] : memref<4x128xi32, #tpu.memory_space<vmem>> -> memref<1x128xi32, #tpu.memory_space<vmem>>
    %dma_wait3A_1016 = tpu.memref_squeeze %dma_wait3A_1015 : memref<1x128xi32, #tpu.memory_space<vmem>> -> memref<128xi32, #tpu.memory_space<vmem>>
    %dma_wait3A_1017 = arith.constant 0 : i32
    %dma_wait3A_1018 = tpu.memref_slice %arg2[%dma_wait3A_1017] : memref<2097152xf32, #tpu.memory_space<hbm>> -> memref<2097152xf32, #tpu.memory_space<hbm>>
    tpu.wait_indirect_dma semaphore(%arg19 : memref<!tpu.dma_semaphore, #tpu.memory_space<semaphore_mem>>) src(%dma_wait3A_1018 : memref<2097152xf32, #tpu.memory_space<hbm>>) dst(%dma_wait3A_1013 : memref<128xf32, #tpu.memory_space<vmem>>)
    %dma_wait3A_1019 = arith.constant 3 : i32
    %dma_wait3A_1020 = arith.constant 3 : i32
    %dma_wait3A_1021 = arith.constant 0 : i32
    %dma_wait3A_1022 = tpu.memref_slice %arg18[%dma_wait3A_1020, %dma_wait3A_1021] : memref<4x128xf32, #tpu.memory_space<vmem>> -> memref<1x128xf32, #tpu.memory_space<vmem>>
    %dma_wait3A_1023 = tpu.memref_squeeze %dma_wait3A_1022 : memref<1x128xf32, #tpu.memory_space<vmem>> -> memref<128xf32, #tpu.memory_space<vmem>>
    %dma_wait3A_1024 = arith.constant 0 : i32
    %dma_wait3A_1025 = tpu.memref_slice %arg16[%dma_wait3A_1019, %dma_wait3A_1024] : memref<4x128xi32, #tpu.memory_space<vmem>> -> memref<1x128xi32, #tpu.memory_space<vmem>>
    %dma_wait3A_1026 = tpu.memref_squeeze %dma_wait3A_1025 : memref<1x128xi32, #tpu.memory_space<vmem>> -> memref<128xi32, #tpu.memory_space<vmem>>
    %dma_wait3A_1027 = arith.constant 0 : i32
    %dma_wait3A_1028 = tpu.memref_slice %arg3[%dma_wait3A_1027] : memref<1048576xf32, #tpu.memory_space<hbm>> -> memref<1048576xf32, #tpu.memory_space<hbm>>
    tpu.wait_indirect_dma semaphore(%arg20 : memref<!tpu.dma_semaphore, #tpu.memory_space<semaphore_mem>>) src(%dma_wait3A_1028 : memref<1048576xf32, #tpu.memory_space<hbm>>) dst(%dma_wait3A_1023 : memref<128xf32, #tpu.memory_space<vmem>>)
    %mul3A_1029 = arith.constant 4 : i32
    %mul3A_1030 = arith.muli %add3A, %mul3A_1029 : i32
    "tpu.region"() ({
      %run_scoped3A = tpu.sem_alloc : memref<!tpu.dma_semaphore, #tpu.memory_space<semaphore_mem>>
      %dma_start3A_1033 = arith.constant 0 : i32
      %dma_start3A_1034 = tpu.memref_slice %arg8[%mul3A_1030, %dma_start3A_1033] : memref<128x128xf32, #tpu.memory_space<hbm>> -> memref<4x128xf32, #tpu.memory_space<hbm>>
      %dma_start3A_1035 = arith.constant 0 : i32
      %dma_start3A_1036 = tpu.memref_slice %arg8[%mul3A_1030, %dma_start3A_1035] : memref<128x128xf32, #tpu.memory_space<hbm>> -> memref<4x128xf32, #tpu.memory_space<hbm>>
      tpu.enqueue_dma source(%arg17 : memref<4x128xf32, #tpu.memory_space<vmem>>) target(%dma_start3A_1036 : memref<4x128xf32, #tpu.memory_space<hbm>>) target_semaphore(%run_scoped3A : memref<!tpu.dma_semaphore, #tpu.memory_space<semaphore_mem>>)
      %dma_wait3A_1037 = arith.constant 0 : i32
      %dma_wait3A_1038 = tpu.memref_slice %arg8[%mul3A_1030, %dma_wait3A_1037] : memref<128x128xf32, #tpu.memory_space<hbm>> -> memref<4x128xf32, #tpu.memory_space<hbm>>
      %dma_wait3A_1039 = arith.constant 0 : i32
      %dma_wait3A_1040 = tpu.memref_slice %arg8[%mul3A_1030, %dma_wait3A_1039] : memref<128x128xf32, #tpu.memory_space<hbm>> -> memref<4x128xf32, #tpu.memory_space<hbm>>
      tpu.wait_dma2 semaphore(%run_scoped3A : memref<!tpu.dma_semaphore, #tpu.memory_space<semaphore_mem>>) src(%arg17 : memref<4x128xf32, #tpu.memory_space<vmem>>) dst(%dma_wait3A_1040 : memref<4x128xf32, #tpu.memory_space<hbm>>)
      tpu.yield
    }) : () -> ()
    %mul3A_1031 = arith.constant 4 : i32
    %mul3A_1032 = arith.muli %add3A, %mul3A_1031 : i32
    "tpu.region"() ({
      %run_scoped3A = tpu.sem_alloc : memref<!tpu.dma_semaphore, #tpu.memory_space<semaphore_mem>>
      %dma_start3A_1033 = arith.constant 0 : i32
      %dma_start3A_1034 = tpu.memref_slice %arg9[%mul3A_1032, %dma_start3A_1033] : memref<128x128xf32, #tpu.memory_space<hbm>> -> memref<4x128xf32, #tpu.memory_space<hbm>>
      %dma_start3A_1035 = arith.constant 0 : i32
      %dma_start3A_1036 = tpu.memref_slice %arg9[%mul3A_1032, %dma_start3A_1035] : memref<128x128xf32, #tpu.memory_space<hbm>> -> memref<4x128xf32, #tpu.memory_space<hbm>>
      tpu.enqueue_dma source(%arg18 : memref<4x128xf32, #tpu.memory_space<vmem>>) target(%dma_start3A_1036 : memref<4x128xf32, #tpu.memory_space<hbm>>) target_semaphore(%run_scoped3A : memref<!tpu.dma_semaphore, #tpu.memory_space<semaphore_mem>>)
      %dma_wait3A_1037 = arith.constant 0 : i32
      %dma_wait3A_1038 = tpu.memref_slice %arg9[%mul3A_1032, %dma_wait3A_1037] : memref<128x128xf32, #tpu.memory_space<hbm>> -> memref<4x128xf32, #tpu.memory_space<hbm>>
      %dma_wait3A_1039 = arith.constant 0 : i32
      %dma_wait3A_1040 = tpu.memref_slice %arg9[%mul3A_1032, %dma_wait3A_1039] : memref<128x128xf32, #tpu.memory_space<hbm>> -> memref<4x128xf32, #tpu.memory_space<hbm>>
      tpu.wait_dma2 semaphore(%run_scoped3A : memref<!tpu.dma_semaphore, #tpu.memory_space<semaphore_mem>>) src(%arg18 : memref<4x128xf32, #tpu.memory_space<vmem>>) dst(%dma_wait3A_1040 : memref<4x128xf32, #tpu.memory_space<hbm>>)
      tpu.yield
    }) : () -> ()
    return
  }
}

module attributes {stable_mosaic.version = 14 : i64} {
  func.func @_main_kernel(%arg0: i32, %arg1: memref<1x4096x128xf32, #tpu.memory_space<vmem>>, %arg2: memref<1x4096x64xf32, #tpu.memory_space<vmem>>, %arg3: memref<1x1x64xi32, #tpu.memory_space<vmem>>, %arg4: memref<1x2x64xf32, #tpu.memory_space<vmem>>, %arg5: memref<1x1x128xf32, #tpu.memory_space<vmem>>, %arg6: memref<1x128x8xf32, #tpu.memory_space<vmem>>, %arg7: memref<4x8xf32, #tpu.memory_space<vmem>>, %arg8: memref<4x8xf32, #tpu.memory_space<vmem>>, %arg9: memref<1xf32, #tpu.memory_space<smem>>, %arg10: memref<8xf32, #tpu.memory_space<smem>>) attributes {dimension_semantics = [#tpu.dimension_semantics<arbitrary>], iteration_bounds = array<i64: 4>, scalar_prefetch = 0 : i64, scratch_operands = 1 : i64, tpu.core_type = #tpu.core_type<tc>, window_params = [{transform_indices = @transform_0, window_bounds = array<i64: 1, 4096, 128>}, {transform_indices = @transform_1, window_bounds = array<i64: 1, 4096, 64>}, {transform_indices = @transform_2, window_bounds = array<i64: 1, 1, 64>}, {transform_indices = @transform_3, window_bounds = array<i64: 1, 2, 64>}, {transform_indices = @transform_4, window_bounds = array<i64: 1, 1, 128>}, {transform_indices = @transform_5, window_bounds = array<i64: 1, 128, 8>}, {pipeline_mode = #tpu.pipeline_mode<synchronous>, transform_indices = @transform_6, window_bounds = array<i64: 4, 8>}, {pipeline_mode = #tpu.pipeline_mode<synchronous>, transform_indices = @transform_7, window_bounds = array<i64: 4, 8>}, {transform_indices = @transform_8, window_bounds = array<i64: 1>}]} {
    %get3A = arith.constant 0 : index
    %get3A_0 = arith.constant 0 : index
    %get3A_1 = arith.constant 0 : index
    %get3A_2 = vector.load %arg3[%get3A, %get3A_0, %get3A_1] : memref<1x1x64xi32, #tpu.memory_space<vmem>>, vector<1x1x64xi32>
    %get3A_3 = vector.shape_cast %get3A_2 : vector<1x1x64xi32> to vector<1x64xi32>
    %iota3A = tpu.iota {dimensions = array<i32: 0>} : vector<128x64xi32>
    %eq3A = vector.broadcast %get3A_3 : vector<1x64xi32> to vector<128x64xi32>
    %eq3A_4 = arith.cmpi eq, %iota3A, %eq3A : vector<128x64xi32>
    %convert_element_type3A = arith.extui %eq3A_4 : vector<128x64xi1> to vector<128x64xi32>
    %convert_element_type3A_5 = arith.sitofp %convert_element_type3A : vector<128x64xi32> to vector<128x64xf32>
    %get3A_6 = arith.constant 0 : index
    %get3A_7 = arith.constant 0 : index
    %get3A_8 = arith.constant 0 : index
    %get3A_9 = vector.load %arg2[%get3A_6, %get3A_7, %get3A_8] : memref<1x4096x64xf32, #tpu.memory_space<vmem>>, vector<1x4096x64xf32>
    %get3A_10 = vector.shape_cast %get3A_9 : vector<1x4096x64xf32> to vector<4096x64xf32>
    %get3A_11 = arith.constant 0 : index
    %get3A_12 = arith.constant 0 : index
    %get3A_13 = arith.constant 0 : index
    %get3A_14 = vector.load %arg1[%get3A_11, %get3A_12, %get3A_13] : memref<1x4096x128xf32, #tpu.memory_space<vmem>>, vector<1x4096x128xf32>
    %get3A_15 = vector.shape_cast %get3A_14 : vector<1x4096x128xf32> to vector<4096x128xf32>
    %dot_general3A = arith.constant dense<0.000000e+00> : vector<4096x64xf32>
    %dot_general3A_16 = tpu.matmul %get3A_15, %convert_element_type3A_5, %dot_general3A {dimension_numbers = #tpu.dot_dimension_numbers<[1], [0], [0], [1], [0, 0, 1, 1], [], []>, precision = #tpu.contract_precision<fp32>, transpose_lhs_hint = false} : vector<4096x128xf32>, vector<128x64xf32>, vector<4096x64xf32> -> vector<4096x64xf32>
    %logistic3A = arith.negf %dot_general3A_16 : vector<4096x64xf32>
    %logistic3A_17 = math.exp %logistic3A : vector<4096x64xf32>
    %logistic3A_18 = arith.constant 1.000000e+00 : f32
    %logistic3A_19 = vector.broadcast %logistic3A_18 : f32 to vector<4096x64xf32>
    %logistic3A_20 = arith.addf %logistic3A_19, %logistic3A_17 : vector<4096x64xf32>
    %logistic3A_21 = arith.divf %logistic3A_19, %logistic3A_20 : vector<4096x64xf32>
    %mul3A = arith.mulf %logistic3A_21, %get3A_10 : vector<4096x64xf32>
    %reduce_sum3A = arith.constant dense<0.000000e+00> : vector<64xf32>
    %reduce_sum3A_22 = vector.multi_reduction <add>, %mul3A, %reduce_sum3A [0] : vector<4096x64xf32> to vector<64xf32>
    %broadcast_in_dim3A = vector.shape_cast %reduce_sum3A_22 : vector<64xf32> to vector<1x64xf32>
    %mul3A_23 = arith.constant 2.000000e+00 : f32
    %mul3A_24 = vector.broadcast %mul3A_23 : f32 to vector<1x64xf32>
    %mul3A_25 = arith.mulf %mul3A_24, %broadcast_in_dim3A : vector<1x64xf32>
    %reduce_sum3A_26 = arith.constant dense<0.000000e+00> : vector<64xf32>
    %reduce_sum3A_27 = vector.multi_reduction <add>, %logistic3A_21, %reduce_sum3A_26 [0] : vector<4096x64xf32> to vector<64xf32>
    %broadcast_in_dim3A_28 = vector.shape_cast %reduce_sum3A_27 : vector<64xf32> to vector<1x64xf32>
    %reduce_sum3A_29 = arith.constant dense<0.000000e+00> : vector<64xf32>
    %reduce_sum3A_30 = vector.multi_reduction <add>, %get3A_10, %reduce_sum3A_29 [0] : vector<4096x64xf32> to vector<64xf32>
    %broadcast_in_dim3A_31 = vector.shape_cast %reduce_sum3A_30 : vector<64xf32> to vector<1x64xf32>
    %add3A = arith.addf %broadcast_in_dim3A_28, %broadcast_in_dim3A_31 : vector<1x64xf32>
    %add3A_32 = arith.constant 1.000000e+00 : f32
    %add3A_33 = vector.broadcast %add3A_32 : f32 to vector<1x64xf32>
    %add3A_34 = arith.addf %mul3A_25, %add3A_33 : vector<1x64xf32>
    %add3A_35 = arith.constant 1.000000e+00 : f32
    %add3A_36 = vector.broadcast %add3A_35 : f32 to vector<1x64xf32>
    %add3A_37 = arith.addf %add3A, %add3A_36 : vector<1x64xf32>
    %div3A = arith.divf %add3A_34, %add3A_37 : vector<1x64xf32>
    %sub3A = arith.constant 1.000000e+00 : f32
    %sub3A_38 = vector.broadcast %sub3A : f32 to vector<1x64xf32>
    %sub3A_39 = arith.subf %sub3A_38, %div3A : vector<1x64xf32>
    %reduce_sum3A_40 = vector.shape_cast %sub3A_39 : vector<1x64xf32> to vector<1x1x64xf32>
    %reduce_sum3A_41 = arith.constant dense<0.000000e+00> : vector<1xf32>
    %reduce_sum3A_42 = vector.multi_reduction <add>, %reduce_sum3A_40, %reduce_sum3A_41 [1, 2] : vector<1x1x64xf32> to vector<1xf32>
    %reduce_sum3A_43 = vector.shape_cast %reduce_sum3A_42 : vector<1xf32> to vector<1x1x1xf32>
    %reduce_sum3A_44 = vector.extract %reduce_sum3A_43[0, 0, 0] : f32 from vector<1x1x1xf32>
    %reduce_max3A = arith.constant dense<0xFF800000> : vector<128xf32>
    %reduce_max3A_45 = vector.multi_reduction <maximumf>, %convert_element_type3A_5, %reduce_max3A [1] : vector<128x64xf32> to vector<128xf32>
    %broadcast_in_dim3A_46 = vector.shape_cast %reduce_max3A_45 : vector<128xf32> to vector<128x1xf32>
    %gt3A = arith.constant 0.000000e+00 : f32
    %gt3A_47 = vector.broadcast %gt3A : f32 to vector<128x1xf32>
    %gt3A_48 = arith.cmpf ogt, %broadcast_in_dim3A_46, %gt3A_47 : vector<128x1xf32>
    %jit3A = arith.constant 1.000000e+00 : f32
    %jit3A_49 = arith.constant 1.000000e-01 : f32
    %broadcast_in_dim3A_50 = vector.broadcast %jit3A : f32 to vector<128x1xf32>
    %broadcast_in_dim3A_51 = vector.broadcast %jit3A_49 : f32 to vector<128x1xf32>
    %select_n3A = arith.select %gt3A_48, %broadcast_in_dim3A_50, %broadcast_in_dim3A_51 : vector<128x1xi1>, vector<128x1xf32>
    %get3A_52 = arith.constant 0 : index
    %get3A_53 = arith.constant 0 : index
    %get3A_54 = arith.constant 0 : index
    %get3A_55 = vector.load %arg5[%get3A_52, %get3A_53, %get3A_54] : memref<1x1x128xf32, #tpu.memory_space<vmem>>, vector<1x1x128xf32>
    %get3A_56 = vector.shape_cast %get3A_55 : vector<1x1x128xf32> to vector<1x128xf32>
    %reshape3A = vector.shape_cast %get3A_56 : vector<1x128xf32> to vector<128x1xf32>
    %max3A = arith.constant 0.000000e+00 : f32
    %max3A_57 = vector.broadcast %max3A : f32 to vector<128x1xf32>
    %max3A_58 = arith.maximumf %reshape3A, %max3A_57 : vector<128x1xf32>
    %mul3A_59 = arith.mulf %reshape3A, %broadcast_in_dim3A_46 : vector<128x1xf32>
    %sub3A_60 = arith.subf %max3A_58, %mul3A_59 : vector<128x1xf32>
    %abs3A = math.absf %reshape3A : vector<128x1xf32>
    %neg3A = arith.constant 0.000000e+00 : f32
    %neg3A_61 = vector.broadcast %neg3A : f32 to vector<128x1xf32>
    %neg3A_62 = arith.subf %neg3A_61, %abs3A : vector<128x1xf32>
    %exp3A = math.exp %neg3A_62 : vector<128x1xf32>
    %log1p3A = math.log1p %exp3A : vector<128x1xf32>
    %add3A_63 = arith.addf %sub3A_60, %log1p3A : vector<128x1xf32>
    %mul3A_64 = arith.mulf %select_n3A, %add3A_63 : vector<128x1xf32>
    %reduce_sum3A_65 = vector.shape_cast %mul3A_64 : vector<128x1xf32> to vector<1x128x1xf32>
    %reduce_sum3A_66 = arith.constant dense<0.000000e+00> : vector<1xf32>
    %reduce_sum3A_67 = vector.multi_reduction <add>, %reduce_sum3A_65, %reduce_sum3A_66 [1, 2] : vector<1x128x1xf32> to vector<1xf32>
    %reduce_sum3A_68 = vector.shape_cast %reduce_sum3A_67 : vector<1xf32> to vector<1x1x1xf32>
    %reduce_sum3A_69 = vector.extract %reduce_sum3A_68[0, 0, 0] : f32 from vector<1x1x1xf32>
    %get3A_70 = arith.constant 0 : index
    %get3A_71 = arith.constant 0 : index
    %get3A_72 = arith.constant 0 : index
    %get3A_73 = vector.load %arg6[%get3A_70, %get3A_71, %get3A_72] : memref<1x128x8xf32, #tpu.memory_space<vmem>>, vector<1x128x8xf32>
    %get3A_74 = vector.shape_cast %get3A_73 : vector<1x128x8xf32> to vector<128x8xf32>
    %dot_general3A_75 = arith.constant dense<0.000000e+00> : vector<64x8xf32>
    %dot_general3A_76 = tpu.matmul %convert_element_type3A_5, %get3A_74, %dot_general3A_75 {dimension_numbers = #tpu.dot_dimension_numbers<[0], [0], [1], [1], [0, 1, 1, 1], [], []>, precision = #tpu.contract_precision<fp32>, transpose_lhs_hint = false} : vector<128x64xf32>, vector<128x8xf32>, vector<64x8xf32> -> vector<64x8xf32>
    %get3A_77 = arith.constant 0 : index
    %get3A_78 = arith.constant 0 : index
    %get3A_79 = arith.constant 0 : index
    %get3A_80 = vector.load %arg4[%get3A_77, %get3A_78, %get3A_79] : memref<1x2x64xf32, #tpu.memory_space<vmem>>, vector<1x1x64xf32>
    %get3A_81 = vector.shape_cast %get3A_80 : vector<1x1x64xf32> to vector<1x64xf32>
    %reshape3A_82 = vector.shape_cast %get3A_81 : vector<1x64xf32> to vector<64x1xf32>
    %get3A_83 = arith.constant 0 : index
    %get3A_84 = arith.constant 1 : index
    %get3A_85 = arith.constant 0 : index
    %get3A_86 = vector.load %arg4[%get3A_83, %get3A_84, %get3A_85] : memref<1x2x64xf32, #tpu.memory_space<vmem>>, vector<1x1x64xf32>
    %get3A_87 = vector.shape_cast %get3A_86 : vector<1x1x64xf32> to vector<1x64xf32>
    %reshape3A_88 = vector.shape_cast %get3A_87 : vector<1x64xf32> to vector<64x1xf32>
    %slice3A = vector.extract_strided_slice %dot_general3A_76 {offsets = [0, 0], sizes = [64, 1], strides = [1, 1]} : vector<64x8xf32> to vector<64x1xf32>
    %sub3A_89 = arith.subf %reshape3A_82, %slice3A : vector<64x1xf32>
    %slice3A_90 = vector.extract_strided_slice %dot_general3A_76 {offsets = [0, 1], sizes = [64, 1], strides = [1, 1]} : vector<64x8xf32> to vector<64x1xf32>
    %sub3A_91 = arith.subf %reshape3A_88, %slice3A_90 : vector<64x1xf32>
    %slice3A_92 = vector.extract_strided_slice %dot_general3A_76 {offsets = [0, 2], sizes = [64, 1], strides = [1, 1]} : vector<64x8xf32> to vector<64x1xf32>
    %slice3A_93 = vector.extract_strided_slice %dot_general3A_76 {offsets = [0, 3], sizes = [64, 1], strides = [1, 1]} : vector<64x8xf32> to vector<64x1xf32>
    %slice3A_94 = vector.extract_strided_slice %dot_general3A_76 {offsets = [0, 4], sizes = [64, 1], strides = [1, 1]} : vector<64x8xf32> to vector<64x1xf32>
    %div3A_95 = arith.divf %sub3A_89, %slice3A_92 : vector<64x1xf32>
    %mul3A_96 = arith.mulf %slice3A_93, %div3A_95 : vector<64x1xf32>
    %sub3A_97 = arith.subf %sub3A_91, %mul3A_96 : vector<64x1xf32>
    %div3A_98 = arith.divf %sub3A_97, %slice3A_94 : vector<64x1xf32>
    %mul3A_99 = arith.mulf %div3A_95, %div3A_95 : vector<64x1xf32>
    %mul3A_100 = arith.mulf %div3A_98, %div3A_98 : vector<64x1xf32>
    %add3A_101 = arith.addf %mul3A_99, %mul3A_100 : vector<64x1xf32>
    %mul3A_102 = arith.constant 5.000000e-01 : f32
    %mul3A_103 = vector.broadcast %mul3A_102 : f32 to vector<64x1xf32>
    %mul3A_104 = arith.mulf %mul3A_103, %add3A_101 : vector<64x1xf32>
    %abs3A_105 = math.absf %slice3A_92 : vector<64x1xf32>
    %log3A = math.log %abs3A_105 : vector<64x1xf32>
    %add3A_106 = arith.addf %mul3A_104, %log3A : vector<64x1xf32>
    %abs3A_107 = math.absf %slice3A_94 : vector<64x1xf32>
    %log3A_108 = math.log %abs3A_107 : vector<64x1xf32>
    %add3A_109 = arith.addf %add3A_106, %log3A_108 : vector<64x1xf32>
    %add3A_110 = arith.constant 1.83787704 : f32
    %add3A_111 = vector.broadcast %add3A_110 : f32 to vector<64x1xf32>
    %add3A_112 = arith.addf %add3A_109, %add3A_111 : vector<64x1xf32>
    %reduce_sum3A_113 = vector.shape_cast %add3A_112 : vector<64x1xf32> to vector<1x64x1xf32>
    %reduce_sum3A_114 = arith.constant dense<0.000000e+00> : vector<1xf32>
    %reduce_sum3A_115 = vector.multi_reduction <add>, %reduce_sum3A_113, %reduce_sum3A_114 [1, 2] : vector<1x64x1xf32> to vector<1xf32>
    %reduce_sum3A_116 = vector.shape_cast %reduce_sum3A_115 : vector<1xf32> to vector<1x1x1xf32>
    %reduce_sum3A_117 = vector.extract %reduce_sum3A_116[0, 0, 0] : f32 from vector<1x1x1xf32>
    %eq3A_118 = arith.constant 0 : i32
    %eq3A_119 = arith.cmpi eq, %arg0, %eq3A_118 : i32
    %convert_element_type3A_120 = arith.extui %eq3A_119 : i1 to i32
    %cond3A = arith.constant 0 : i32
    %cond3A_121 = arith.cmpi ne, %convert_element_type3A_120, %cond3A : i32
    scf.if %cond3A_121 {
      %swap3A_141 = arith.constant 0.000000e+00 : f32
      %swap3A_142 = arith.constant 0 : index
      %swap3A_143 = memref.load %arg10[%swap3A_142] : memref<8xf32, #tpu.memory_space<smem>>
      memref.store %swap3A_141, %arg10[%swap3A_142] : memref<8xf32, #tpu.memory_space<smem>>
      %swap3A_144 = arith.constant 0.000000e+00 : f32
      %swap3A_145 = arith.constant 1 : index
      %swap3A_146 = memref.load %arg10[%swap3A_145] : memref<8xf32, #tpu.memory_space<smem>>
      memref.store %swap3A_144, %arg10[%swap3A_145] : memref<8xf32, #tpu.memory_space<smem>>
      %swap3A_147 = arith.constant 0.000000e+00 : f32
      %swap3A_148 = arith.constant 2 : index
      %swap3A_149 = memref.load %arg10[%swap3A_148] : memref<8xf32, #tpu.memory_space<smem>>
      memref.store %swap3A_147, %arg10[%swap3A_148] : memref<8xf32, #tpu.memory_space<smem>>
      %swap3A_150 = arith.constant 0.000000e+00 : f32
      %swap3A_151 = arith.constant 3 : index
      %swap3A_152 = memref.load %arg10[%swap3A_151] : memref<8xf32, #tpu.memory_space<smem>>
      memref.store %swap3A_150, %arg10[%swap3A_151] : memref<8xf32, #tpu.memory_space<smem>>
    } else {
    }
    %get3A_122 = arith.constant 0 : index
    %get3A_123 = memref.load %arg10[%get3A_122] : memref<8xf32, #tpu.memory_space<smem>>
    %add3A_124 = arith.addf %get3A_123, %reduce_sum3A_69 : f32
    %swap3A = arith.constant 0 : index
    %swap3A_125 = memref.load %arg10[%swap3A] : memref<8xf32, #tpu.memory_space<smem>>
    memref.store %add3A_124, %arg10[%swap3A] : memref<8xf32, #tpu.memory_space<smem>>
    %get3A_126 = arith.constant 1 : index
    %get3A_127 = memref.load %arg10[%get3A_126] : memref<8xf32, #tpu.memory_space<smem>>
    %add3A_128 = arith.addf %get3A_127, %reduce_sum3A_44 : f32
    %swap3A_129 = arith.constant 1 : index
    %swap3A_130 = memref.load %arg10[%swap3A_129] : memref<8xf32, #tpu.memory_space<smem>>
    memref.store %add3A_128, %arg10[%swap3A_129] : memref<8xf32, #tpu.memory_space<smem>>
    %get3A_131 = arith.constant 2 : index
    %get3A_132 = memref.load %arg10[%get3A_131] : memref<8xf32, #tpu.memory_space<smem>>
    %add3A_133 = arith.addf %get3A_132, %reduce_sum3A_117 : f32
    %swap3A_134 = arith.constant 2 : index
    %swap3A_135 = memref.load %arg10[%swap3A_134] : memref<8xf32, #tpu.memory_space<smem>>
    memref.store %add3A_133, %arg10[%swap3A_134] : memref<8xf32, #tpu.memory_space<smem>>
    %eq3A_136 = arith.constant 3 : i32
    %eq3A_137 = arith.cmpi eq, %arg0, %eq3A_136 : i32
    %convert_element_type3A_138 = arith.extui %eq3A_137 : i1 to i32
    %cond3A_139 = arith.constant 0 : i32
    %cond3A_140 = arith.cmpi ne, %convert_element_type3A_138, %cond3A_139 : i32
    scf.if %cond3A_140 {
      %get3A_141 = arith.constant 0 : index
      %get3A_142 = arith.constant 0 : index
      %get3A_143 = vector.load %arg7[%get3A_141, %get3A_142] : memref<4x8xf32, #tpu.memory_space<vmem>>, vector<4x8xf32>
      %reduce_max3A_144 = arith.constant dense<0xFF800000> : vector<4xf32>
      %reduce_max3A_145 = vector.multi_reduction <maximumf>, %get3A_143, %reduce_max3A_144 [1] : vector<4x8xf32> to vector<4xf32>
      %broadcast_in_dim3A_146 = vector.shape_cast %reduce_max3A_145 : vector<4xf32> to vector<4x1xf32>
      %sub3A_147 = vector.broadcast %broadcast_in_dim3A_146 : vector<4x1xf32> to vector<4x8xf32>
      %sub3A_148 = arith.subf %get3A_143, %sub3A_147 : vector<4x8xf32>
      %exp3A_149 = math.exp %sub3A_148 : vector<4x8xf32>
      %reduce_sum3A_150 = arith.constant dense<0.000000e+00> : vector<4xf32>
      %reduce_sum3A_151 = vector.multi_reduction <add>, %exp3A_149, %reduce_sum3A_150 [1] : vector<4x8xf32> to vector<4xf32>
      %broadcast_in_dim3A_152 = vector.shape_cast %reduce_sum3A_151 : vector<4xf32> to vector<4x1xf32>
      %log3A_153 = math.log %broadcast_in_dim3A_152 : vector<4x1xf32>
      %add3A_154 = arith.addf %broadcast_in_dim3A_146, %log3A_153 : vector<4x1xf32>
      %get3A_155 = arith.constant 0 : index
      %get3A_156 = arith.constant 0 : index
      %get3A_157 = vector.load %arg8[%get3A_155, %get3A_156] : memref<4x8xf32, #tpu.memory_space<vmem>>, vector<4x8xf32>
      %sub3A_158 = vector.broadcast %add3A_154 : vector<4x1xf32> to vector<4x8xf32>
      %sub3A_159 = arith.subf %get3A_143, %sub3A_158 : vector<4x8xf32>
      %mul3A_160 = arith.mulf %get3A_157, %sub3A_159 : vector<4x8xf32>
      %reduce_sum3A_161 = vector.shape_cast %mul3A_160 : vector<4x8xf32> to vector<1x4x8xf32>
      %reduce_sum3A_162 = arith.constant dense<0.000000e+00> : vector<1xf32>
      %reduce_sum3A_163 = vector.multi_reduction <add>, %reduce_sum3A_161, %reduce_sum3A_162 [1, 2] : vector<1x4x8xf32> to vector<1xf32>
      %reduce_sum3A_164 = vector.shape_cast %reduce_sum3A_163 : vector<1xf32> to vector<1x1x1xf32>
      %reduce_sum3A_165 = vector.extract %reduce_sum3A_164[0, 0, 0] : f32 from vector<1x1x1xf32>
      %neg3A_166 = arith.constant 0.000000e+00 : f32
      %neg3A_167 = arith.subf %neg3A_166, %reduce_sum3A_165 : f32
      %div3A_168 = arith.constant 4.000000e+00 : f32
      %div3A_169 = arith.divf %neg3A_167, %div3A_168 : f32
      %get3A_170 = arith.constant 0 : index
      %get3A_171 = memref.load %arg10[%get3A_170] : memref<8xf32, #tpu.memory_space<smem>>
      %div3A_172 = arith.constant 5.120000e+02 : f32
      %div3A_173 = arith.divf %get3A_171, %div3A_172 : f32
      %get3A_174 = arith.constant 1 : index
      %get3A_175 = memref.load %arg10[%get3A_174] : memref<8xf32, #tpu.memory_space<smem>>
      %div3A_176 = arith.constant 2.560000e+02 : f32
      %div3A_177 = arith.divf %get3A_175, %div3A_176 : f32
      %add3A_178 = arith.addf %div3A_173, %div3A_177 : f32
      %get3A_179 = arith.constant 2 : index
      %get3A_180 = memref.load %arg10[%get3A_179] : memref<8xf32, #tpu.memory_space<smem>>
      %div3A_181 = arith.constant 2.560000e+02 : f32
      %div3A_182 = arith.divf %get3A_180, %div3A_181 : f32
      %add3A_183 = arith.addf %add3A_178, %div3A_182 : f32
      %add3A_184 = arith.addf %add3A_183, %div3A_169 : f32
      %swap3A_185 = arith.constant 0 : index
      %swap3A_186 = memref.load %arg9[%swap3A_185] : memref<1xf32, #tpu.memory_space<smem>>
      memref.store %add3A_184, %arg9[%swap3A_185] : memref<1xf32, #tpu.memory_space<smem>>
    } else {
    }
    return
  }
  func.func @transform_0(%arg0: i32) -> (i32, i32, i32) {
    %c0_i32 = arith.constant 0 : i32
    %c0_i32_0 = arith.constant 0 : i32
    %c0_i32_1 = arith.constant 0 : i32
    return %arg0, %c0_i32, %c0_i32_0 : i32, i32, i32
  }
  func.func @transform_1(%arg0: i32) -> (i32, i32, i32) {
    %c0_i32 = arith.constant 0 : i32
    %c0_i32_0 = arith.constant 0 : i32
    %c0_i32_1 = arith.constant 0 : i32
    return %arg0, %c0_i32, %c0_i32_0 : i32, i32, i32
  }
  func.func @transform_2(%arg0: i32) -> (i32, i32, i32) {
    %c0_i32 = arith.constant 0 : i32
    %c0_i32_0 = arith.constant 0 : i32
    %c0_i32_1 = arith.constant 0 : i32
    return %arg0, %c0_i32, %c0_i32_0 : i32, i32, i32
  }
  func.func @transform_3(%arg0: i32) -> (i32, i32, i32) {
    %c0_i32 = arith.constant 0 : i32
    %c0_i32_0 = arith.constant 0 : i32
    %c0_i32_1 = arith.constant 0 : i32
    return %arg0, %c0_i32, %c0_i32_0 : i32, i32, i32
  }
  func.func @transform_4(%arg0: i32) -> (i32, i32, i32) {
    %c0_i32 = arith.constant 0 : i32
    %c0_i32_0 = arith.constant 0 : i32
    %c0_i32_1 = arith.constant 0 : i32
    return %arg0, %c0_i32, %c0_i32_0 : i32, i32, i32
  }
  func.func @transform_5(%arg0: i32) -> (i32, i32, i32) {
    %c0_i32 = arith.constant 0 : i32
    %c0_i32_0 = arith.constant 0 : i32
    %c0_i32_1 = arith.constant 0 : i32
    return %arg0, %c0_i32, %c0_i32_0 : i32, i32, i32
  }
  func.func @transform_6(%arg0: i32) -> (i32, i32) {
    %c0_i32 = arith.constant 0 : i32
    %c0_i32_0 = arith.constant 0 : i32
    %c0_i32_1 = arith.constant 0 : i32
    return %c0_i32, %c0_i32_0 : i32, i32
  }
  func.func @transform_7(%arg0: i32) -> (i32, i32) {
    %c0_i32 = arith.constant 0 : i32
    %c0_i32_0 = arith.constant 0 : i32
    %c0_i32_1 = arith.constant 0 : i32
    return %c0_i32, %c0_i32_0 : i32, i32
  }
  func.func @transform_8(%arg0: i32) -> i32 {
    %c0_i32 = arith.constant 0 : i32
    %c0_i32_0 = arith.constant 0 : i32
    return %c0_i32 : i32
  }
}

module attributes {stable_mosaic.version = 14 : i64} {
  func.func @_combine_kernel(%arg0: memref<128x128xf32, #tpu.memory_space<vmem>>, %arg1: memref<128x128xf32, #tpu.memory_space<vmem>>, %arg2: memref<1xf32, #tpu.memory_space<smem>>, %arg3: memref<1xf32, #tpu.memory_space<smem>>) attributes {dimension_semantics = [], scalar_prefetch = 0 : i64, scratch_operands = 0 : i64, tpu.core_type = #tpu.core_type<tc>} {
    %iota3A = tpu.iota {dimensions = array<i32: 1>} : vector<128x128xi32>
    %and3A = arith.constant 63 : i32
    %and3A_0 = vector.broadcast %and3A : i32 to vector<128x128xi32>
    %and3A_1 = arith.andi %iota3A, %and3A_0 : vector<128x128xi32>
    %lt3A = arith.constant 49 : i32
    %lt3A_2 = vector.broadcast %lt3A : i32 to vector<128x128xi32>
    %lt3A_3 = arith.cmpi slt, %and3A_1, %lt3A_2 : vector<128x128xi32>
    %convert_element_type3A = arith.extui %lt3A_3 : vector<128x128xi1> to vector<128x128xi32>
    %convert_element_type3A_4 = arith.sitofp %convert_element_type3A : vector<128x128xi32> to vector<128x128xf32>
    %get3A = arith.constant 0 : index
    %get3A_5 = arith.constant 0 : index
    %get3A_6 = vector.load %arg0[%get3A, %get3A_5] : memref<128x128xf32, #tpu.memory_space<vmem>>, vector<128x128xf32>
    %get3A_7 = arith.constant 0 : index
    %get3A_8 = arith.constant 0 : index
    %get3A_9 = vector.load %arg1[%get3A_7, %get3A_8] : memref<128x128xf32, #tpu.memory_space<vmem>>, vector<128x128xf32>
    %max3A = arith.constant 0.000000e+00 : f32
    %max3A_10 = vector.broadcast %max3A : f32 to vector<128x128xf32>
    %max3A_11 = arith.maximumf %get3A_6, %max3A_10 : vector<128x128xf32>
    %mul3A = arith.mulf %get3A_6, %get3A_9 : vector<128x128xf32>
    %sub3A = arith.subf %max3A_11, %mul3A : vector<128x128xf32>
    %abs3A = math.absf %get3A_6 : vector<128x128xf32>
    %neg3A = arith.constant 0.000000e+00 : f32
    %neg3A_12 = vector.broadcast %neg3A : f32 to vector<128x128xf32>
    %neg3A_13 = arith.subf %neg3A_12, %abs3A : vector<128x128xf32>
    %exp3A = math.exp %neg3A_13 : vector<128x128xf32>
    %log1p3A = math.log1p %exp3A : vector<128x128xf32>
    %add3A = arith.addf %sub3A, %log1p3A : vector<128x128xf32>
    %mul3A_14 = arith.mulf %convert_element_type3A_4, %add3A : vector<128x128xf32>
    %reduce_sum3A = vector.shape_cast %mul3A_14 : vector<128x128xf32> to vector<1x128x128xf32>
    %reduce_sum3A_15 = arith.constant dense<0.000000e+00> : vector<1xf32>
    %reduce_sum3A_16 = vector.multi_reduction <add>, %reduce_sum3A, %reduce_sum3A_15 [1, 2] : vector<1x128x128xf32> to vector<1xf32>
    %reduce_sum3A_17 = vector.shape_cast %reduce_sum3A_16 : vector<1xf32> to vector<1x1x1xf32>
    %reduce_sum3A_18 = vector.extract %reduce_sum3A_17[0, 0, 0] : f32 from vector<1x1x1xf32>
    %get3A_19 = arith.constant 0 : index
    %get3A_20 = memref.load %arg2[%get3A_19] : memref<1xf32, #tpu.memory_space<smem>>
    %div3A = arith.constant 1.254400e+04 : f32
    %div3A_21 = arith.divf %reduce_sum3A_18, %div3A : f32
    %add3A_22 = arith.addf %get3A_20, %div3A_21 : f32
    %swap3A = arith.constant 0 : index
    %swap3A_23 = memref.load %arg3[%swap3A] : memref<1xf32, #tpu.memory_space<smem>>
    memref.store %add3A_22, %arg3[%swap3A] : memref<1xf32, #tpu.memory_space<smem>>
    return
  }
}

</mosaic_0001>

<sc_bundles>
// kernel: kernel.5.cloned.1.call-start
scs
__scs_entry_jumppad:
0x0: {  	(pc) =	sbr.rel $0x88, $3  }
0x1: {  	(tag) =	ssettag $0x0;
	lr =	simm.s32 $0x1  }
0x2: {  	[smem:$0x3F97] =	sst lr;
	_ =	strace $0xD0000000  }
0x3: {  	_ = 	snop  }
0x4: {  	_ = 	snop  }
0x5: {  	_ = 	snop  }
0x6: {  	_ = 	snop  }
0x7: {  	_ = 	snop  }
__scs_overlays_trampoline_lowered:
0x8: {  	[smem:$0x3FA6] =	sst s0  }
0x9: {  	[smem:$0x3FA7] =	sst s1  }
0xa: {  	[smem:$0x3FA8] =	sst s2  }
0xb: {  	[smem:$0x3FA9] =	sst s3  }
0xc: {  	[smem:$0x3FAA] =	sst s4  }
0xd: {  	[smem:$0x3FAB] =	sst s5  }
0xe: {  	[smem:$0x3FAC] =	sst s6  }
0xf: {  	[smem:$0x3FAD] =	sst s7  }
0x10: {  	[smem:$0x3FAE] =	sst s8  }
0x11: {  	[smem:$0x3FAF] =	sst s9;
	s0 =	simm.s32 @!p0 $0x0  }
0x12: {  	s1 =	sld [smem:$0x3F95];
	s0 =	simm.s32 @p0 $0x1  }
0x13: {  	[smem:$0x3FB0] =	sst s0;
	s0 =	simm.s32 @!p1 $0x0  }
0x14: {  	s2 =	sld [smem:$0x3F94];
	s0 =	simm.s32 @p1 $0x1  }
0x15: {  	[smem:$0x3FB1] =	sst s0;
	s0 =	simm.s32 @!p2 $0x0  }
0x16: {  	s3 =	sld [smem:$0x3FDB];
	s0 =	simm.s32 @p2 $0x1  }
0x17: {  	s4 =	simm.s32 $0x1BF5;
	[smem:$0x3FB3] =	sst s0  }
0x18: {  	s0 =	sld [smem:$0x3F96];
	_ =	swait.ge [sflag:s4], $0x0  }
0x19: {  	s7 =	sld [smem:$0x3F97]  }
0x1a: {  	s8 =	sadd.s32 $0xFFFFE003, lr  }
0x1b: {  	s9 =	sadd.s32 $0xFFFFFEF7, lr;
	s5 =	simm.s32 $0xFFFFFFFF;
	p2 =	slt.u32 s8, $0xFFFFF086  }
0x1c: {  	p1 =	slt.u32 s9, $0xF7A;
	s5 =	simm.s32 @!p2 $0x0  }
0x1d: {  	s5 =	simm.s32 @p1 $0x1;
	p0 =	seq.s32 s7, s2  }
0x1e: {  	s7 =	smul.u32 @!p0 $0xF7A, s2;
	p2 =	seq.s32 @!p0 s5, $0x0  }
0x1f: {  	s9 =	smul.u32 $0xF7A, s1;
	s8 =	simm.s32 @!p0 $0x1BF5;
	p2 =	por !p2, p0  }
0x20: {  	[sflag:s8] =	ssyncset.s32 @!p0 $0xFFFFF086;
	s6 =	sadd.s32 @!p0 s3, s7;
	s7 =	simm.s32 @!p0 $0x108  }
0x21: {  	s3 =	sadd.s32 s3, s9;
	s6 =	sadd.s32 @!p0 $0x88, s6;
	s7 =	simm.s32 @p2 $0x1082  }
0x22: {  	[simem:s7], [sflag:s8] =	dma.local @!p0 [hbm:s6], $0xF7A  }
0x23: {  	s9 =	sor.u32 $0xD0000000, s2;
	s6 =	simm.s32 $0x108;
	_ =	swait.ge @!p0 [sflag:s8], $0x0  }
0x24: {  	s3 =	sadd.s32 $0x88, s3;
	s6 =	simm.s32 @!p1 $0x1082;
	[sflag:s4] =	ssyncset.s32 $0xFFFFF086  }
0x25: {  	[simem:s6], [sflag:s4] =	dma.local [hbm:s3], $0xF7A  }
0x26: {  	[smem:$0x3F97] =	sst s1;
	(tag) =	ssettag s2;
	_ =	strace s9  }
0x27: {  	s1 =	sld [smem:$0x3FA7]  }
0x28: {  	s2 =	sld [smem:$0x3FA8]  }
0x29: {  	s4 =	sld [smem:$0x3FAA]  }
0x2a: {  	p0 =	seq.s32 s5, $0x0;
	s5 =	sld [smem:$0x3FAB]  }
0x2b: {  	s6 =	sld [smem:$0x3FAC]  }
0x2c: {  	s7 =	sld [smem:$0x3FAD]  }
0x2d: {  	s3 =	simm.s32 $0x108;
	s8 =	sld [smem:$0x3FAE]  }
0x2e: {  	s3 =	simm.s32 @!p0 $0x1082;
	s9 =	sld [smem:$0x3FAF]  }
0x2f: {  	lr =	sadd.s32 s0, s3;
	s0 =	sld [smem:$0x3FA6]  }
0x30: {  	s3 =	sld [smem:$0x3FA9]  }
0x31: {  	[smem:$0x3FB2] =	sst s10  }
0x32: {  	s10 =	sld [smem:$0x3FB0];
	_ =	sdelay $0x3  }
0x33: {  	p0 =	seq.s32 s10, $0x1;
	s10 =	sld [smem:$0x3FB2];
	_ =	sdelay $0x3  }
0x34: {  	[smem:$0x3FB2] =	sst s10  }
0x35: {  	s10 =	sld [smem:$0x3FB1];
	_ =	sdelay $0x3  }
0x36: {  	p1 =	seq.s32 s10, $0x1;
	s10 =	sld [smem:$0x3FB2];
	_ =	sdelay $0x3  }
0x37: {  	[smem:$0x3FB2] =	sst s10  }
0x38: {  	s10 =	sld [smem:$0x3FB3]  }
0x39: {  	_ = 	snop;
	(pc) =	sbr.ind lr, $3  }
0x3a: {  	_ = 	snop  }
0x3b: {  	_ = 	snop  }
0x3c: {  	p2 =	seq.s32 s10, $0x1;
	s10 =	sld [smem:$0x3FB2]  }
0x3d: {  	_ =	shalt  }
0x3e: {  	_ =	shalt  }
0x3f: {  	_ =	shalt  }
0x40: {  	_ =	shalt  }
0x41: {  	_ =	shalt  }
0x42: {  	_ =	shalt  }
0x43: {  	_ =	shalt  }
0x44: {  	_ =	shalt  }
0x45: {  	_ =	shalt  }
0x46: {  	_ =	shalt  }
0x47: {  	_ =	shalt  }
0x48: {  	_ =	shalt  }
0x49: {  	_ =	shalt  }
0x4a: {  	_ =	shalt  }
0x4b: {  	_ =	shalt  }
0x4c: {  	_ =	shalt  }
0x4d: {  	_ =	shalt  }
0x4e: {  	_ =	shalt  }
0x4f: {  	_ =	shalt  }
0x50: {  	_ =	shalt  }
0x51: {  	_ =	shalt  }
0x52: {  	_ =	shalt  }
0x53: {  	_ =	shalt  }
0x54: {  	_ =	shalt  }
0x55: {  	_ =	shalt  }
0x56: {  	_ =	shalt  }
0x57: {  	_ =	shalt  }
0x58: {  	_ =	shalt  }
0x59: {  	_ =	shalt  }
0x5a: {  	_ =	shalt  }
0x5b: {  	_ =	shalt  }
0x5c: {  	_ =	shalt  }
0x5d: {  	_ =	shalt  }
0x5e: {  	_ =	shalt  }
0x5f: {  	_ =	shalt  }
0x60: {  	_ =	shalt  }
0x61: {  	_ =	shalt  }
0x62: {  	_ =	shalt  }
0x63: {  	_ =	shalt  }
0x64: {  	_ =	shalt  }
0x65: {  	_ =	shalt  }
0x66: {  	_ =	shalt  }
0x67: {  	_ =	shalt  }
0x68: {  	_ =	shalt  }
0x69: {  	_ =	shalt  }
0x6a: {  	_ =	shalt  }
0x6b: {  	_ =	shalt  }
0x6c: {  	_ =	shalt  }
0x6d: {  	_ =	shalt  }
0x6e: {  	_ =	shalt  }
0x6f: {  	_ =	shalt  }
0x70: {  	_ =	shalt  }
0x71: {  	_ =	shalt  }
0x72: {  	_ =	shalt  }
0x73: {  	_ =	shalt  }
0x74: {  	_ =	shalt  }
0x75: {  	_ =	shalt  }
0x76: {  	_ =	shalt  }
0x77: {  	_ =	shalt  }
0x78: {  	_ =	shalt  }
0x79: {  	_ =	shalt  }
0x7a: {  	_ =	shalt  }
0x7b: {  	_ =	shalt  }
0x7c: {  	_ =	shalt  }
0x7d: {  	_ =	shalt  }
0x7e: {  	_ =	shalt  }
0x7f: {  	_ =	shalt  }
0x80: {  	_ =	shalt  }
0x81: {  	_ =	shalt  }
0x82: {  	_ =	shalt  }
0x83: {  	_ =	shalt  }
0x84: {  	_ =	shalt  }
0x85: {  	_ =	shalt  }
0x86: {  	_ =	shalt  }
0x87: {  	_ =	shalt  }
.Lfunc_end0:
.L_simem_size_0:
called_computation_lowered:
.L_overlay_start_0:
0x88: {  	s2 =	sld [smem:$0x3FD9]  }
0x89: {  	s3 =	sld [smem:$0x3FFE];
	_ =	sdelay $0x1  }
0x8a: {  	s1 =	srdreg.scid  }
0x8b: {  	s0 =	sand.u32 $0x1, s1  }
0x8c: {  	s17 =	sshll.u32 s0, $0xA;
	s2 =	sadd.s32 s3, s2  }
0x8d: {  	s2 =	sadd.s32 s2, s17  }
0x8e: {  	[smem:$0x3FBE] =	sst s2  }
0x8f: {  	_ = 	snop  }
0x90: {  	s2 =	sld [smem:$0x3FC5]  }
0x91: {  	s18 =	sld [smem:$0x3FD0];
	(tm) =	ssettm $0x1  }
0x92: {  	s4 =	sld [smem:$0x3FFB];
	_ =	sdelay $0x3  }
0x93: {  	_ =	strace s4  }
0x94: {  	s4 =	sld [smem:$0x3FFC];
	_ =	sdelay $0x3  }
0x95: {  	_ =	strace s4  }
0x96: {  	s4 =	sld [smem:$0x3FFD];
	_ =	sdelay $0x3  }
0x97: {  	_ =	strace s4  }
0x98: {  	_ =	strace $0x8FFFFFFF  }
0x99: {  	s19 =	sld [smem:$0x3FDB];
	_ =	sdelay $0x1  }
0x9a: {  	s5 =	simm.s32 $_scs_section_size  }
0x9b: {  	s6 =	simm.s32 $_size__tile_overlayer_lowered;
	s7 =	simm.s32 $_tile_overlayer_lowered  }
0x9c: {  	s22 =	simm.s32 $0x1BFF;
	s21 =	sshll.u32 s7, $0x1;
	s4 =	sadd.s32 s5, s19  }
0x9d: {  	s8 =	simm.s32 $0x0;
	s20 =	sshll.u32 s6, $0x1;
	s6 =	sadd.s32 s21, s4  }
0x9e: {  	[timem:s8], [sflag:s22] =	dma.local [hbm:s6], s20  }
0x9f: {  	_ =	swait.ge [sflag:s22], s20  }
0xa0: {  	s5 =	ssub.s32 $0x0, s20;
	[sflag:s22] =	ssyncset.done $0x0  }
0xa1: {  	[sflag:s22] =	ssyncadd.s32 s5;
	_ =	sdelay $0x1  }
0xa2: {  	s23 =	simm.s32 $0x1B8B  }
0xa3: {  	_ =	swait.ge [sflag:s23], $0x1  }
0xa4: {  	[sflag:s23] =	ssyncset.done $0x0  }
0xa5: {  	s25 =	simm.s32 $0x1B8E;
	s24 =	sld [smem:$0x3FFE];
	[sflag:s23] =	ssyncadd.s32 $0xFFFFFFFF  }
0xa6: {  	s26 =	simm.s32 $execute0_lowered;
	[smem:$0x3FD2] =	sst s25  }
0xa7: {  	s6 =	sshll.u32 s26, $0x1;
	_ =	strace $0x80000046;
	[dreg:$0x1] =	wrdreg $0xFFFFFFFF  }
0xa8: {  	s28 =	simm.s32 $_size_execute0_lowered;
	s4 =	sadd.s32 s4, s6;
	[dreg:$0x0] =	wrdreg $0x0  }
0xa9: {  	s6 =	sshll.u32 s28, $0x1;
	[dreg:$0x2] =	wrdreg s4  }
0xaa: {  	[dreg:$0x3] =	wrdreg s6  }
0xab: {  	[dreg:$0x4] =	wrdreg $0xC0  }
0xac: {  	_ =	task [dreg:s8], $0x5FFFF  }
0xad: {  	[dreg:$0x1] =	wrdreg $0xFFFFFFFF  }
0xae: {  	[dreg:$0x0] =	wrdreg $0x60  }
0xaf: {  	[dreg:$0x2] =	wrdreg s2  }
0xb0: {  	[dreg:$0x3] =	wrdreg s24  }
0xb1: {  	[dreg:$0x4] =	wrdreg s18  }
0xb2: {  	[dreg:$0x5] =	wrdreg $0x9  }
0xb3: {  	_ =	task.clear_ibuf [dreg:s8], $0x6FFFF;
	_ =	strace $0x90000046  }
0xb4: {  	s29 =	simm.s32 $0x9;
	_ =	strace $0x80000048  }
0xb5: {  	_ =	swait.ge [sflag:s29], $0x1  }
0xb6: {  	[sflag:s29] =	ssyncadd.s32 $0xFFFFFFFF  }
0xb7: {  	_ =	strace $0x90000048  }
0xb8: {  	_ =	sfence  }
0xb9: {  	s30 =	sld [smem:$0x0];
	_ =	sdelay $0x2  }
0xba: {  	s31 =	sshll.u32 s1, $0xD;
	s1 =	sshrl.u32 s1, $0x2  }
0xbb: {  	s3 =	sand.u32 $0x4000, s31;
	s1 =	sadd.s32 s1, s30  }
0xbc: {  	s0 =	sor.u32 s3, s0;
	s1 =	sshll.u32 s1, $0x11  }
0xbd: {  	s0 =	sor.u32 s1, s0  }
0xbe: {  	s0 =	sadd.s32 $0x8F2B, s0  }
0xbf: {  	[sflag:s0] =	ssyncadd.remote.s32 $0x1  }
0xc0: {  	_ =	sfence.sel $0xFFFF  }
0xc1: {  	[dreg:$0x0] =	wrdreg $0xFFFFFFFF;
	(pc) =	sbr.abs _section_cstart, $3  }
0xc2: {  	[dreg:$0x1] =	wrdreg $0xFFFFFFFF  }
0xc3: {  	_ =	task.clear_ibuf [dreg:s8], $0x2FFFF;
	_ =	strace $0x9FFFFFFF  }
0xc4: {  	(tm) =	ssettm $0x7FFFFFFF  }
0xc5: {  	_ =	shalt  }
tec
execute0_lowered:
.L_overlay_start_1:
0x0: {  	(tag) =	ssettag $0x1  }
0x1: {  	s1 =	rddreg [dreg:$0x0]  }
0x2: {  	s2 =	rddreg [dreg:$0x1]  }
0x3: {  	s3 =	rddreg [dreg:$0x2]  }
0x4: {  	s4 =	srdreg.scid;
	s0 =	stileid.u32  }
0x5: {  	s12 =	simm.s32 $0x180;
	s13 =	simm.s32 $0x200;
	s14 =	simm.s32 $0x280  }
0x6: {  	s15 =	simm.s32 $0x680;
	s16 =	simm.s32 $0x480;
	s18 =	simm.s32 $0x300  }
0x7: {  	s19 =	simm.s32 $0x700;
	s28 =	simm.s32 $0x800;
	s29 =	simm.s32 $0x600  }
0x8: {  	s30 =	simm.s32 $0xA00;
	s31 =	simm.s32 $0x1;
	[dreg:$0x5] =	wrdreg s3  }
0x9: {  	s5 =	sand.u32 $0x1, s4;
	s21 =	sshll.u32 s0, $0x1;
	s7 =	sshrl.u32 s0, $0x2  }
0xa: {  	s3 =	simm.s32 $0x0;
	s9 =	sadd.s32 $0x2E00, s2;
	s10 =	sshll.u32 s0, $0x7  }
0xb: {  	s6 =	sor.u32 s5, s21;
	s22 =	sshll.u32 s7, $0x6;
	[smem:$0x7FF] =	sst s3  }
0xc: {  	s11 =	sshll.u32 s5, $0x6;
	s5 =	ssub.s32 $0x2, s5;
	s20 =	sshll.u32 s7, $0x13  }
0xd: {  	s21 =	simm.s32 $0x900;
	s17 =	sshll.u32 s6, $0x3;
	_ =	strace $0x80000047  }
0xe: {  	s6 =	sadd.s32 s6, s2;
	[dreg:$0x4] =	wrdreg s9;
	s23 =	sor.u32 s11, s10  }
0xf: {  	s24 =	sshrl.u32 s5, $0x1;
	s10 =	simm.s32 $0x80;
	s11 =	simm.s32 $0x100  }
0x10: {  	v0 =	vlaneseq.u32;
	s4 =	sadd.s32 s22, s17;
	s9 =	ssub.s32 s5, s24;
	s5 =	sadd.s32 $0x23200, s6  }
0x11: {  	v0 =	vadd.s32 s17, v0;
	s17 =	simm.s32 $0x880;
	s22 =	simm.s32 $0x380;
	s24 =	simm.s32 $0x580  }
0x12: {  	s8 =	sshrl.u32 s4, $0x3;
	s4 =	sadd.s32 $0x3000, s2;
	v1 =	vand.u32 $0x3F, v0;
	v0 =	vmov s20;
	s20 =	simm.s32 $0x500  }
0x13: {  	s8 =	sadd.s32 s8, s2;
	s2 =	sadd.s32 s23, s2;
	s23 =	sshll.u32 s7, $0x12  }
0x14: {  	s25 =	sadd.s32 $0x23000, s8;
	s26 =	sadd.s32 $0x23008, s8;
	s6 =	sadd.s32 $0x23400, s2  }
0x15: {  	v2 =	vimm.s32 $0x7;
	v3 =	vimm.s32 $0x6;
	v4 =	vimm.s32 $0x0;
	s7 =	sadd.s32 $0x23C00, s2;
	s8 =	smax.u32 s9, $0x1;
	s9 =	simm.s32 $0x3  }
0x16: {  	v5 =	vimm.s32 $0x1;
	v6 =	vimm.s32 $0x2;
	v1 =	vor.u32 s23, v1;
	s23 =	simm.s32 $0x780;
	s2 =	simm.s32 $0x2;
	[dreg:$0x6] =	wrdreg s25  }
0x17: {  	v7 =	vimm.s32 $0x3;
	v8 =	vimm.s32 $0x4;
	v9 =	vimm.s32 $0x5;
	[dreg:$0x7] =	wrdreg s26;
	s25 =	simm.s32 $0x980;
	s26 =	simm.s32 $0x400  }
.LBB2_1:
0x18: {  	s0 =	rddreg [dreg:$0x6]  }
0x19: {  	[tilespmem:s3], [sflag:$0x3] =	stream.linear.gather [hbm4b:s0+s3], $0x8, $0x38;
	[tilespmem:$0xA80] =	vst v63  }
0x1a: {  	_ =	swait.ge [sflag:s9], $0x8  }
0x1b: {  	[sflag:s9] =	ssyncset.done $0x0  }
0x1c: {  	s0 =	rddreg [dreg:$0x7];
	[sflag:s9] =	ssyncadd.s32 $0xFFFFFFF8  }
0x1d: {  	[tilespmem:s10], [sflag:$0x3] =	stream.linear.gather [hbm4b:s0+s3], $0x8, $0x38;
	[tilespmem:$0xA80] =	vst v63  }
0x1e: {  	_ =	swait.ge [sflag:s9], $0x8  }
0x1f: {  	[sflag:s9] =	ssyncset.done $0x0  }
0x20: {  	[sflag:s9] =	ssyncadd.s32 $0xFFFFFFF8  }
0x21: {  	[tilespmem:s11], [sflag:$0x3] =	stream.linear.gather [hbm4b:s5+s3], $0x8, $0x38;
	[tilespmem:$0xA80] =	vst v63  }
0x22: {  	_ =	swait.ge [sflag:s9], $0x8  }
0x23: {  	[sflag:s9] =	ssyncset.done $0x0  }
0x24: {  	s0 =	rddreg [dreg:$0x4];
	[sflag:s9] =	ssyncadd.s32 $0xFFFFFFF8  }
0x25: {  	[tilespmem:s12], [sflag:$0x3] =	stream.linear.gather [hbm4b:s0+s3], $0x80, $0x38;
	[tilespmem:$0xA80] =	vst v63  }
0x26: {  	_ =	swait.ge [sflag:s9], $0x80  }
0x27: {  	[sflag:s9] =	ssyncset.done $0x0  }
0x28: {  	s0 =	rddreg [dreg:$0x5];
	[sflag:s9] =	ssyncadd.s32 $0xFFFFFF80  }
0x29: {  	[tilespmem:s13], [sflag:$0x3] =	stream.linear.gather [hbm4b:s0+s3], $0x80, $0x38;
	[tilespmem:$0xA80] =	vst v63  }
0x2a: {  	_ =	swait.ge [sflag:s9], $0x80  }
0x2b: {  	[sflag:s9] =	ssyncset.done $0x0  }
0x2c: {  	[sflag:s9] =	ssyncadd.s32 $0xFFFFFF80  }
0x2d: {  	v10 =	vld [tilespmem:$0x0]  }
0x2e: {  	v11 =	vld [tilespmem:$0x80];
	_ =	sdelay $0x2  }
0x2f: {  	v12 =	vld [tilespmem:$0x100]  }
0x30: {  	v10 =	vtrunc.f32 v10  }
0x31: {  	v11 =	vtrunc.f32 v11;
	v10 =	vcvt.f32.s32 v10  }
0x32: {  	v11 =	vcvt.f32.s32 v11  }
0x33: {  	v10 =	vadd.s32 $0xFFFFFFFD, v10  }
0x34: {  	v14 =	vld [tilespmem:$0x180];
	v12 =	vadd.s32 v0, v12;
	v11 =	vadd.s32 $0xFFFFFFFD, v11;
	v13 =	vshll.u32 v10, $0xD  }
0x35: {  	v16 =	vld [tilespmem:$0x200];
	v15 =	vshll.u32 v11, $0x7;
	v60 =	vshll.u32 v10, $0xC;
	v12 =	vadd.s32 v13, v12  }
0x36: {  	v62 =	vld [tilespmem:$0x190];
	v11 =	vshll.u32 v11, $0x6;
	v61 =	vadd.s32 v60, v1;
	v10 =	vadd.s32 v15, v12  }
0x37: {  	v21 =	vld [tilespmem:$0x210];
	v11 =	vadd.s32 v11, v61;
	v63 =	vperm.xlane v10, v4  }
0x38: {  	v18 =	vld [tilespmem:$0x1A0];
	v17 =	vperm.xlane v11, v4  }
0x39: {  	v19 =	vld [tilespmem:$0x220];
	v14 =	vadd.s32 v63, v14  }
0x3a: {  	v23 =	vld [tilespmem:$0x1B0];
	v22 =	vadd.s32 v17, v16;
	[tilespmem:$0x280] =	vst v14  }
0x3b: {  	v24 =	vld [tilespmem:$0x230];
	v13 =	vadd.s32 v63, v62;
	[tilespmem:$0x480] =	vst v22  }
0x3c: {  	v26 =	vld [tilespmem:$0x180];
	v25 =	vadd.s32 v17, v21;
	[tilespmem:$0x290] =	vst v13  }
0x3d: {  	v28 =	vld [tilespmem:$0x200];
	v27 =	vadd.s32 v63, v18;
	[tilespmem:$0x490] =	vst v25  }
0x3e: {  	v30 =	vld [tilespmem:$0x190];
	v29 =	vadd.s32 v17, v19;
	[tilespmem:$0x2A0] =	vst v27  }
0x3f: {  	v32 =	vld [tilespmem:$0x210];
	v31 =	vperm.xlane v10, v5;
	v12 =	vadd.s32 v63, v23;
	[tilespmem:$0x4A0] =	vst v29  }
0x40: {  	v35 =	vld [tilespmem:$0x1A0];
	v34 =	vperm.xlane v11, v5;
	v33 =	vadd.s32 v17, v24;
	[tilespmem:$0x2B0] =	vst v12  }
0x41: {  	v37 =	vld [tilespmem:$0x220];
	v36 =	vadd.s32 v31, v26;
	[tilespmem:$0x4B0] =	vst v33  }
0x42: {  	v39 =	vld [tilespmem:$0x1B0];
	v38 =	vadd.s32 v34, v28;
	[tilespmem:$0x2C0] =	vst v36  }
0x43: {  	v41 =	vld [tilespmem:$0x230];
	v40 =	vadd.s32 v31, v30;
	[tilespmem:$0x4C0] =	vst v38  }
0x44: {  	v43 =	vld [tilespmem:$0x180];
	v42 =	vadd.s32 v34, v32;
	[tilespmem:$0x2D0] =	vst v40  }
0x45: {  	v45 =	vld [tilespmem:$0x200];
	v44 =	vadd.s32 v31, v35;
	[tilespmem:$0x4D0] =	vst v42  }
0x46: {  	v47 =	vld [tilespmem:$0x190];
	v46 =	vadd.s32 v34, v37;
	[tilespmem:$0x2E0] =	vst v44  }
0x47: {  	v50 =	vld [tilespmem:$0x210];
	v49 =	vperm.xlane v10, v6;
	v48 =	vadd.s32 v31, v39;
	[tilespmem:$0x4E0] =	vst v46  }
0x48: {  	v53 =	vld [tilespmem:$0x1A0];
	v52 =	vperm.xlane v11, v6;
	v51 =	vadd.s32 v34, v41;
	[tilespmem:$0x2F0] =	vst v48  }
0x49: {  	v55 =	vld [tilespmem:$0x220];
	v54 =	vadd.s32 v49, v43;
	[tilespmem:$0x4F0] =	vst v51  }
0x4a: {  	v57 =	vld [tilespmem:$0x1B0];
	v56 =	vadd.s32 v52, v45;
	[tilespmem:$0x300] =	vst v54  }
0x4b: {  	v59 =	vld [tilespmem:$0x230];
	v58 =	vadd.s32 v49, v47;
	[tilespmem:$0x500] =	vst v56  }
0x4c: {  	v61 =	vld [tilespmem:$0x180];
	v60 =	vadd.s32 v52, v50;
	[tilespmem:$0x310] =	vst v58  }
0x4d: {  	v62 =	vadd.s32 v49, v53;
	v63 =	vld [tilespmem:$0x200];
	[tilespmem:$0x510] =	vst v60  }
0x4e: {  	v20 =	vadd.s32 v52, v55;
	v21 =	vld [tilespmem:$0x190];
	[tilespmem:$0x320] =	vst v62  }
0x4f: {  	v23 =	vperm.xlane v10, v7;
	v24 =	vld [tilespmem:$0x210];
	[tilespmem:$0x520] =	vst v20;
	v22 =	vadd.s32 v49, v57  }
0x50: {  	v26 =	vperm.xlane v11, v7;
	v31 =	vld [tilespmem:$0x1B0];
	v25 =	vadd.s32 v52, v59;
	[tilespmem:$0x330] =	vst v22  }
0x51: {  	v35 =	vld [tilespmem:$0x180];
	[tilespmem:$0x530] =	vst v25;
	v28 =	vadd.s32 v23, v61  }
0x52: {  	v37 =	vld [tilespmem:$0x200];
	[tilespmem:$0x340] =	vst v28;
	v30 =	vadd.s32 v26, v63  }
0x53: {  	v39 =	vld [tilespmem:$0x190];
	v32 =	vadd.s32 v23, v21;
	[tilespmem:$0x540] =	vst v30  }
0x54: {  	v41 =	vperm.xlane v10, v8;
	v45 =	vld [tilespmem:$0x1A0];
	v34 =	vadd.s32 v26, v24;
	[tilespmem:$0x350] =	vst v32  }
0x55: {  	v47 =	vld [tilespmem:$0x220];
	v44 =	vperm.xlane v11, v8;
	v40 =	vadd.s32 v23, v31;
	[tilespmem:$0x550] =	vst v34  }
0x56: {  	v53 =	vld [tilespmem:$0x180];
	v46 =	vadd.s32 v41, v35;
	[tilespmem:$0x370] =	vst v40  }
0x57: {  	v27 =	vld [tilespmem:$0x1A0];
	v48 =	vadd.s32 v44, v37;
	[tilespmem:$0x380] =	vst v46  }
0x58: {  	v29 =	vld [tilespmem:$0x220];
	v50 =	vadd.s32 v41, v39;
	[tilespmem:$0x580] =	vst v48  }
0x59: {  	v33 =	vld [tilespmem:$0x230];
	v59 =	vperm.xlane v10, v9;
	v54 =	vadd.s32 v41, v45;
	[tilespmem:$0x390] =	vst v50  }
0x5a: {  	v42 =	vld [tilespmem:$0x210];
	v56 =	vadd.s32 v44, v47;
	[tilespmem:$0x3A0] =	vst v54  }
0x5b: {  	v49 =	vld [tilespmem:$0x1B0];
	v21 =	vadd.s32 v59, v53;
	[tilespmem:$0x5A0] =	vst v56  }
0x5c: {  	v51 =	vld [tilespmem:$0x230];
	v36 =	vadd.s32 v23, v27;
	[tilespmem:$0x3C0] =	vst v21  }
0x5d: {  	v55 =	vld [tilespmem:$0x200];
	v38 =	vadd.s32 v26, v29;
	[tilespmem:$0x360] =	vst v36  }
0x5e: {  	v57 =	vld [tilespmem:$0x190];
	v43 =	vadd.s32 v26, v33;
	[tilespmem:$0x560] =	vst v38  }
0x5f: {  	v60 =	vld [tilespmem:$0x210];
	v52 =	vadd.s32 v44, v42;
	[tilespmem:$0x570] =	vst v43  }
0x60: {  	v62 =	vperm.xlane v11, v9;
	v22 =	vld [tilespmem:$0x220];
	v58 =	vadd.s32 v41, v49;
	[tilespmem:$0x590] =	vst v52  }
0x61: {  	v28 =	vld [tilespmem:$0x180];
	v61 =	vadd.s32 v44, v51;
	[tilespmem:$0x3B0] =	vst v58  }
0x62: {  	v63 =	vld [tilespmem:$0x1A0];
	v23 =	vadd.s32 v62, v55;
	[tilespmem:$0x5B0] =	vst v61  }
0x63: {  	v24 =	vld [tilespmem:$0x1B0];
	v25 =	vadd.s32 v59, v57;
	[tilespmem:$0x5C0] =	vst v23  }
0x64: {  	v35 =	vld [tilespmem:$0x210];
	v27 =	vadd.s32 v62, v60;
	v34 =	vperm.xlane v10, v3;
	[tilespmem:$0x3D0] =	vst v25  }
0x65: {  	v26 =	vld [tilespmem:$0x230];
	[tilespmem:$0x5D0] =	vst v27;
	v31 =	vadd.s32 v62, v22  }
0x66: {  	v30 =	vld [tilespmem:$0x200];
	[tilespmem:$0x5E0] =	vst v31;
	v39 =	vadd.s32 v34, v28  }
0x67: {  	v37 =	vperm.xlane v11, v3;
	v32 =	vld [tilespmem:$0x190];
	[tilespmem:$0x400] =	vst v39;
	v29 =	vadd.s32 v59, v63  }
0x68: {  	v40 =	vld [tilespmem:$0x220];
	v33 =	vadd.s32 v59, v24;
	[tilespmem:$0x3E0] =	vst v29  }
0x69: {  	v42 =	vld [tilespmem:$0x1B0];
	v45 =	vadd.s32 v37, v35;
	[tilespmem:$0x3F0] =	vst v33  }
0x6a: {  	v44 =	vld [tilespmem:$0x230];
	v36 =	vadd.s32 v62, v26;
	[tilespmem:$0x610] =	vst v45  }
0x6b: {  	v46 =	vld [tilespmem:$0x180];
	v41 =	vadd.s32 v37, v30;
	[tilespmem:$0x5F0] =	vst v36  }
0x6c: {  	v48 =	vld [tilespmem:$0x200];
	v43 =	vadd.s32 v34, v32;
	[tilespmem:$0x600] =	vst v41  }
0x6d: {  	v50 =	vld [tilespmem:$0x190];
	v49 =	vadd.s32 v37, v40;
	[tilespmem:$0x410] =	vst v43  }
0x6e: {  	v10 =	vperm.xlane v10, v2;
	v54 =	vld [tilespmem:$0x1A0];
	v51 =	vadd.s32 v34, v42;
	[tilespmem:$0x620] =	vst v49  }
0x6f: {  	v11 =	vperm.xlane v11, v2;
	v56 =	vld [tilespmem:$0x220];
	v53 =	vadd.s32 v37, v44;
	[tilespmem:$0x430] =	vst v51  }
0x70: {  	v38 =	vld [tilespmem:$0x1A0];
	v55 =	vadd.s32 v10, v46;
	[tilespmem:$0x630] =	vst v53  }
0x71: {  	v52 =	vld [tilespmem:$0x210];
	v57 =	vadd.s32 v11, v48;
	[tilespmem:$0x440] =	vst v55  }
0x72: {  	v58 =	vld [tilespmem:$0x1B0];
	v59 =	vadd.s32 v10, v50;
	[tilespmem:$0x640] =	vst v57  }
0x73: {  	v60 =	vld [tilespmem:$0x230];
	v62 =	vadd.s32 v10, v54;
	[tilespmem:$0x450] =	vst v59  }
0x74: {  	v63 =	vadd.s32 v11, v56;
	[tilespmem:$0x460] =	vst v62  }
0x75: {  	v47 =	vadd.s32 v34, v38;
	[tilespmem:$0x660] =	vst v63  }
0x76: {  	v61 =	vadd.s32 v11, v52;
	[tilespmem:$0x420] =	vst v47  }
0x77: {  	v10 =	vadd.s32 v10, v58;
	[tilespmem:$0x650] =	vst v61  }
0x78: {  	[tilespmem:$0x470] =	vst v10;
	v10 =	vadd.s32 v11, v60  }
0x79: {  	[tilespmem:$0x670] =	vst v10  }
0x7a: {  	[tilespmem:s15], [sflag:$0x1] =	stream.indirect.gather [hbm4b:s1+s10], $0x1, s14, s10, $0xb8;
	[tilespmem:$0xA80] =	vst v63  }
0x7b: {  	_ = 	snop  }
0x7c: {  	[tilespmem:s17], [sflag:$0x2] =	stream.indirect.gather [hbm4b:s4+s10], $0x1, s16, s10, $0xb8;
	[tilespmem:$0xA80] =	vst v63  }
0x7d: {  	_ = 	snop  }
0x7e: {  	[tilespmem:s19], [sflag:$0x1] =	stream.indirect.gather [hbm4b:s1+s10], $0x1, s18, s10, $0xb8;
	[tilespmem:$0xA80] =	vst v63  }
0x7f: {  	_ = 	snop  }
0x80: {  	[tilespmem:s21], [sflag:$0x2] =	stream.indirect.gather [hbm4b:s4+s10], $0x1, s20, s10, $0xb8;
	[tilespmem:$0xA80] =	vst v63  }
0x81: {  	_ = 	snop  }
0x82: {  	[tilespmem:s23], [sflag:$0x1] =	stream.indirect.gather [hbm4b:s1+s10], $0x1, s22, s10, $0xb8;
	[tilespmem:$0xA80] =	vst v63  }
0x83: {  	_ = 	snop  }
0x84: {  	[tilespmem:s25], [sflag:$0x2] =	stream.indirect.gather [hbm4b:s4+s10], $0x1, s24, s10, $0xb8;
	[tilespmem:$0xA80] =	vst v63  }
0x85: {  	_ = 	snop  }
0x86: {  	[tilespmem:s28], [sflag:$0x1] =	stream.indirect.gather [hbm4b:s1+s10], $0x1, s26, s10, $0xb8;
	[tilespmem:$0xA80] =	vst v63  }
0x87: {  	_ = 	snop  }
0x88: {  	[tilespmem:s30], [sflag:$0x2] =	stream.indirect.gather [hbm4b:s4+s10], $0x1, s29, s10, $0xb8;
	[tilespmem:$0xA80] =	vst v63  }
0x89: {  	_ =	swait.ge [sflag:s31], $0x80  }
0x8a: {  	[sflag:s31] =	ssyncset.done $0x0  }
0x8b: {  	[sflag:s31] =	ssyncadd.s32 $0xFFFFFF80  }
0x8c: {  	_ =	swait.ge [sflag:s2], $0x80  }
0x8d: {  	[sflag:s2] =	ssyncset.done $0x0  }
0x8e: {  	[sflag:s2] =	ssyncadd.s32 $0xFFFFFF80  }
0x8f: {  	_ =	swait.ge [sflag:s31], $0x80  }
0x90: {  	[sflag:s31] =	ssyncset.done $0x0  }
0x91: {  	[sflag:s31] =	ssyncadd.s32 $0xFFFFFF80  }
0x92: {  	_ =	swait.ge [sflag:s2], $0x80  }
0x93: {  	[sflag:s2] =	ssyncset.done $0x0  }
0x94: {  	[sflag:s2] =	ssyncadd.s32 $0xFFFFFF80  }
0x95: {  	_ =	swait.ge [sflag:s31], $0x80  }
0x96: {  	[sflag:s31] =	ssyncset.done $0x0  }
0x97: {  	[sflag:s31] =	ssyncadd.s32 $0xFFFFFF80  }
0x98: {  	_ =	swait.ge [sflag:s2], $0x80  }
0x99: {  	[sflag:s2] =	ssyncset.done $0x0  }
0x9a: {  	[sflag:s2] =	ssyncadd.s32 $0xFFFFFF80  }
0x9b: {  	_ =	swait.ge [sflag:s31], $0x80  }
0x9c: {  	[sflag:s31] =	ssyncset.done $0x0  }
0x9d: {  	[sflag:s31] =	ssyncadd.s32 $0xFFFFFF80  }
0x9e: {  	_ =	swait.ge [sflag:s2], $0x80  }
0x9f: {  	[sflag:s2] =	ssyncset.done $0x0  }
0xa0: {  	[sflag:s2] =	ssyncadd.s32 $0xFFFFFF80  }
0xa1: {  	[hbm4b:s6+s3] =	stream.linear.scatter [tilespmem:s15], [sflag:$0x3], $0x200, $0x38;
	[tilespmem:$0xA80] =	vst v63  }
0xa2: {  	_ =	swait.ge [sflag:s9], $0x200  }
0xa3: {  	p0 =	sne.s32 s8, $0x1;
	[sflag:s9] =	ssyncset.done $0x0  }
.Ltmp0:
0xa4: {  	[sflag:s9] =	ssyncadd.s32 $0xFFFFFE00;
	(pc) =	sbr.rel @p0 .LBB2_1-.Ltmp0, $4  }
0xa5: {  	[hbm4b:s7+s3] =	stream.linear.scatter [tilespmem:s17], [sflag:$0x3], $0x200, $0x38;
	[tilespmem:$0xA80] =	vst v63  }
0xa6: {  	_ =	swait.ge [sflag:s9], $0x200  }
0xa7: {  	[sflag:s9] =	ssyncset.done $0x0  }
0xa8: {  	s8 =	sadd.s32 $0xFFFFFFFF, s8;
	[sflag:s9] =	ssyncadd.s32 $0xFFFFFE00  }
0xa9: {  	_ =	sfence.sel $0x180000  }
0xaa: {  	[bflag:$0x0] =	sbarrier.arrive $0xFFFF  }
0xab: {  	_ =	strace $0x90000047  }
0xac: {  	s0 =	stileid.u32;
	[bflag:$0x2] =	sbarrier.arrive $0xFFFF  }
0xad: {  	p0 =	sne.s32 s0, $0x0;
	s0 =	rddreg [dreg:$0x3]  }
0xae: {  	s0 =	sadd.s32 @!p0 $0x100000, s0  }
0xaf: {  	[sflag:s0] =	ssyncadd.tile.s32 @!p0 $0x1;
	_ =	shalt  }
.Lfunc_end2:
_tile_overlayer_lowered:
.L_overlay_start_2:
0xb0: {  	(tag) =	ssettag $0x2  }
0xb1: {  	s0 =	rddreg [dreg:$0x0];
	s2 =	stileid.u32  }
0xb2: {  	s1 =	rddreg [dreg:$0x1];
	p0 =	sne.s32 s2, $0x0  }
0xb3: {  	s3 =	rddreg [dreg:$0x2];
	[bflag:$0x3] =	sbarrier.arrive $0xFFFF;
	s2 =	simm.s32 @!p0 $0x1C03  }
0xb4: {  	[timem:s3], [sflag:s2] =	dma.local @!p0 [hbm:s0], s1  }
0xb5: {  	s0 =	simm.s32 @!p0 $0x3  }
0xb6: {  	_ =	swait.ge @!p0 [sflag:s0], s1  }
0xb7: {  	s1 =	ssub.s32 @!p0 $0x0, s1;
	[sflag:s0] =	ssyncset.done @!p0 $0x0  }
0xb8: {  	[sflag:s0] =	ssyncadd.s32 @!p0 s1  }
0xb9: {  	[bflag:$0x3] =	sbarrier.arrive $0xFFFF  }
0xba: {  	_ =	shalt  }

</sc_bundles>
